<compile_context>
chip_gen: v7x
topology: tpu7x:2x2x1
jax: 0.10.2.dev20260603
libtpu: 0.0.44.dev20260713+nightly
codegen_flags: <defaults>
</compile_context>

<pallas_src>
import dataclasses
import functools

import jax
import jax.numpy as jnp
from jax import lax
from jax.experimental import pallas as pl
from jax.experimental.pallas import tpu as pltpu
from jax.experimental.pallas import tpu_sc as plsc

N = 10000
F_IN = 128
HID = 64
C = 40
CP = 48
E = 320000

NC = 2
NS = 16
NW = NC * NS
EPW = 10240
EP = NW * EPW
PAD = EP - E

ECH = 4096
NCH = EP // NC // ECH

_mesh = plsc.VectorSubcoreMesh(
    core_axis_name="c", subcore_axis_name="s", num_cores=NC, num_subcores=NS
)

_sc_params = pltpu.CompilerParams()
if "needs_layout_passes" in pltpu.CompilerParams.__dataclass_fields__:
    _sc_params = dataclasses.replace(_sc_params, needs_layout_passes=False)
if "use_tc_tiling_on_sc" in pltpu.CompilerParams.__dataclass_fields__:
    _sc_params = dataclasses.replace(_sc_params, use_tc_tiling_on_sc=False)


def _deg_body(dst_hbm, w_hbm, out_hbm, deg_v, dst_v, w_v, sem):
    cid = lax.axis_index("c")
    sid = lax.axis_index("s")
    wid = sid * NC + cid
    c1 = pltpu.async_copy(dst_hbm.at[wid], dst_v, sem)
    c2 = pltpu.async_copy(w_hbm.at[wid], w_v, sem)
    zero16 = jnp.zeros((16,), jnp.float32)

    @pl.loop(0, N, step=16)
    def _(i):
        deg_v[pl.ds(i, 16)] = zero16

    c1.wait()
    c2.wait()

    @pl.loop(0, EPW, step=16)
    def _(i):
        idx = dst_v[pl.ds(i, 16)]
        val = w_v[pl.ds(i, 16)]
        plsc.addupdate_scatter(deg_v, [idx], val)

    pltpu.async_copy(deg_v, out_hbm.at[wid], sem).wait()


_deg_kernel = functools.partial(
    pl.kernel,
    _deg_body,
    out_type=jax.ShapeDtypeStruct((NW, N), jnp.float32),
    mesh=_mesh,
    scratch_types=[
        pltpu.VMEM((N,), jnp.float32),
        pltpu.VMEM((EPW,), jnp.int32),
        pltpu.VMEM((EPW,), jnp.float32),
        pltpu.SemaphoreType.DMA,
    ],
    compiler_params=_sc_params,
)()


def _make_msg_kernel(F):
    FPW = F // NS

    def body(hn_hbm, src_hbm, dst_hbm, w_hbm, out_hbm,
             hn_v, acc_v, s0, s1, d0, d1, w0, w1,
             hsem, e0, e1):
        sbuf = [s0, s1]
        dbuf = [d0, d1]
        wbuf = [w0, w1]
        esem = [e0, e1]
        cid = lax.axis_index("c")
        sid = lax.axis_index("s")

        hcp = pltpu.async_copy(hn_hbm.at[pl.ds(sid * FPW, FPW)], hn_v, hsem)
        for b in range(2):
            ch = cid * NCH + b
            pltpu.async_copy(src_hbm.at[ch], sbuf[b], esem[b])
            pltpu.async_copy(dst_hbm.at[ch], dbuf[b], esem[b])
            pltpu.async_copy(w_hbm.at[ch], wbuf[b], esem[b])

        zero16 = jnp.zeros((16,), jnp.float32)

        @pl.loop(0, N, step=16)
        def _(i):
            for f in range(FPW):
                acc_v[f, pl.ds(i, 16)] = zero16

        hcp.wait()

        @pl.loop(0, NCH, step=2)
        def _(c0):
            for b in range(2):
                ch = c0 + b
                hch = cid * NCH + ch
                pltpu.make_async_copy(src_hbm.at[hch], sbuf[b], esem[b]).wait()
                pltpu.make_async_copy(dst_hbm.at[hch], dbuf[b], esem[b]).wait()
                pltpu.make_async_copy(w_hbm.at[hch], wbuf[b], esem[b]).wait()

                @plsc.parallel_loop(0, ECH, step=16, unroll=4)
                def _(i):
                    s16 = sbuf[b][pl.ds(i, 16)]
                    d16 = dbuf[b][pl.ds(i, 16)]
                    w16 = wbuf[b][pl.ds(i, 16)]
                    for f in range(FPW):
                        fi = jnp.full((16,), f, jnp.int32)
                        v = plsc.load_gather(hn_v, [fi, s16])
                        plsc.addupdate_scatter(acc_v, [fi, d16], v * w16)

                @pl.when(ch + 2 < NCH)
                def _():
                    nch = cid * NCH + ch + 2
                    pltpu.async_copy(src_hbm.at[nch], sbuf[b], esem[b])
                    pltpu.async_copy(dst_hbm.at[nch], dbuf[b], esem[b])
                    pltpu.async_copy(w_hbm.at[nch], wbuf[b], esem[b])

        pltpu.async_copy(acc_v, out_hbm.at[cid * NS + sid], hsem).wait()

    return functools.partial(
        pl.kernel,
        body,
        out_type=jax.ShapeDtypeStruct((NW, FPW, N), jnp.float32),
        mesh=_mesh,
        scratch_types=(
            [pltpu.VMEM((FPW, N), jnp.float32),
             pltpu.VMEM((FPW, N), jnp.float32)]
            + [pltpu.VMEM((ECH,), jnp.int32)] * 4
            + [pltpu.VMEM((ECH,), jnp.float32)] * 2
            + [pltpu.SemaphoreType.DMA] * 3
        ),
        compiler_params=_sc_params,
    )()


_msg_hid = _make_msg_kernel(HID)
_msg_cp = _make_msg_kernel(CP)


def _mm1_body(w1_ref, x_ref, o_ref):
    o_ref[...] = lax.dot_general(
        w1_ref[...], x_ref[...], (((0,), (1,)), ((), ())),
        preferred_element_type=jnp.float32,
    )


def _prep_body(degp_ref, h_ref, hn_ref, dinv_ref):
    deg = jnp.sum(degp_ref[...], axis=0, keepdims=True) + 1.0
    dinv = jnp.where(deg > 0, lax.rsqrt(jnp.where(deg > 0, deg, 1.0)), 0.0)
    hn_ref[...] = h_ref[...] * dinv
    dinv_ref[...] = dinv


def _mid_body(acc_ref, hn_ref, dinv_ref, b1_ref, w2_ref, hn2_ref):
    dinv = dinv_ref[...]
    s = (acc_ref[0] + acc_ref[1] + hn_ref[...]) * dinv + b1_ref[...]
    z = jnp.maximum(s, 0.0)
    hn2_ref[...] = lax.dot_general(
        w2_ref[...], z, (((0,), (0,)), ((), ())),
        preferred_element_type=jnp.float32,
    ) * dinv


def _fin_body(acc_ref, hn2_ref, dinv_ref, b2_ref, o_ref):
    s = (acc_ref[0] + acc_ref[1] + hn2_ref[...]) * dinv_ref[...] + b2_ref[...]
    t = s[:C, :]
    m = jnp.max(t, axis=0, keepdims=True)
    lse = jnp.log(jnp.sum(jnp.exp(t - m), axis=0, keepdims=True)) + m
    o_ref[...] = t - lse


def kernel(x, edge_index, edge_weight, W1, b1, W2, b2):
    x = x.astype(jnp.float32)
    src = edge_index[0].astype(jnp.int32)
    dst = edge_index[1].astype(jnp.int32)
    w = edge_weight.astype(jnp.float32)

    pad_idx = jnp.arange(PAD, dtype=jnp.int32)
    srcp = jnp.concatenate([src, pad_idx])
    dstp = jnp.concatenate([dst, pad_idx])
    wp = jnp.concatenate([w, jnp.zeros((PAD,), jnp.float32)])
    dst2 = dstp.reshape(NW, EPW)
    w2d = wp.reshape(NW, EPW)
    src_e = srcp.reshape(NC * NCH, ECH)
    dst_e = dstp.reshape(NC * NCH, ECH)
    w_e = wp.reshape(NC * NCH, ECH)

    W2p = jnp.concatenate([W2, jnp.zeros((HID, CP - C), jnp.float32)], axis=1)
    b1c = b1.reshape(HID, 1)
    b2c = jnp.concatenate([b2, jnp.zeros((CP - C,), jnp.float32)]).reshape(CP, 1)

    degp = _deg_kernel(dst2, w2d)
    h1t = pl.pallas_call(
        _mm1_body,
        out_shape=jax.ShapeDtypeStruct((HID, N), jnp.float32),
    )(W1, x)

    hn1t, dinv = pl.pallas_call(
        _prep_body,
        out_shape=(
            jax.ShapeDtypeStruct((HID, N), jnp.float32),
            jax.ShapeDtypeStruct((1, N), jnp.float32),
        ),
    )(degp, h1t)

    acc1 = _msg_hid(hn1t, src_e, dst_e, w_e).reshape(NC, HID, N)

    hn2t = pl.pallas_call(
        _mid_body,
        out_shape=jax.ShapeDtypeStruct((CP, N), jnp.float32),
    )(acc1, hn1t, dinv, b1c, W2p)

    acc2 = _msg_cp(hn2t, src_e, dst_e, w_e).reshape(NC, CP, N)

    outt = pl.pallas_call(
        _fin_body,
        out_shape=jax.ShapeDtypeStruct((C, N), jnp.float32),
    )(acc2, hn2t, dinv, b2c)
    return outt.T

# --- scband reference (transcript-rebuilt; emitter-appended) ---
"""Pipeline reference for scband-net-1795296329932 (READ-ONLY COPY).

The authoritative reference and input builder live on the scoring server;
editing this copy changes nothing except your own understanding.
"""

import jax, jax.numpy as jnp
import numpy as np

N = 10000
E = 320000
F_IN = 128
HID = 64
C = 40


def setup_inputs(seed: int = 0) -> dict:
    key = jax.random.key(seed)
    k1, k2, k3, k4, k5 = jax.random.split(key, 5)
    x = jax.random.normal(k1, (N, F_IN), dtype=jnp.float32)
    edge_index = jax.random.randint(k2, (2, E), 0, N, dtype=jnp.int32).astype(jnp.int64)
    edge_weight = jax.random.uniform(k3, (E,), dtype=jnp.float32)
    W1 = jax.random.normal(k4, (F_IN, HID), dtype=jnp.float32) * (1.0 / np.sqrt(F_IN))
    b1 = jnp.zeros((HID,), dtype=jnp.float32)
    W2 = jax.random.normal(k5, (HID, C), dtype=jnp.float32) * (1.0 / np.sqrt(HID))
    b2 = jnp.zeros((C,), dtype=jnp.float32)
    return {"x": x, "edge_index": edge_index, "edge_weight": edge_weight,
            "W1": W1, "b1": b1, "W2": W2, "b2": b2}


def _gcn_conv(x, edge_index, edge_weight, W, b, num_nodes):
    # GCNConv with add_self_loops=True, symmetric normalization (PyG default)
    src = edge_index[0]
    dst = edge_index[1]
    loop = jnp.arange(num_nodes, dtype=src.dtype)
    src = jnp.concatenate([src, loop], axis=0)
    dst = jnp.concatenate([dst, loop], axis=0)
    w = jnp.concatenate([edge_weight, jnp.ones((num_nodes,), dtype=edge_weight.dtype)], axis=0)
    deg = jax.ops.segment_sum(w, dst, num_segments=num_nodes)
    deg_inv_sqrt = jnp.where(deg > 0, jax.lax.rsqrt(jnp.where(deg > 0, deg, 1.0)), 0.0)
    norm = deg_inv_sqrt[src] * w * deg_inv_sqrt[dst]
    h = x @ W
    msg = norm[:, None] * jnp.take(h, src, axis=0)
    out = jax.ops.segment_sum(msg, dst, num_segments=num_nodes)
    return out + b


def reference(x, edge_index, edge_weight, W1, b1, W2, b2):
    x = x.astype(jnp.float32)
    h = _gcn_conv(x, edge_index, edge_weight, W1, b1, N)
    h = jax.nn.relu(h)
    # dropout is identity in eval mode (training=False)
    out = _gcn_conv(h, edge_index, edge_weight, W2, b2, N)
    return jax.nn.log_softmax(out, axis=1)

if __name__ == "__main__":
    import jax
    _d = setup_inputs()
    print(jax.jit(kernel)(*tuple(_d.values())))

</pallas_src>

<mosaic_0001>
#map = affine_map<(d0, d1) -> (0, 0)>
#map1 = affine_map<(d0, d1) -> (0, 0, 0)>
module attributes {stable_mosaic.version = 14 : i64} {
  func.func @body(%arg0: i32, %arg1: i32, %arg2: memref<48x10000xf32, #tpu.memory_space<hbm>>, %arg3: memref<80x4096xi32, #tpu.memory_space<hbm>>, %arg4: memref<80x4096xi32, #tpu.memory_space<hbm>>, %arg5: memref<80x4096xf32, #tpu.memory_space<hbm>>, %arg6: memref<32x3x10000xf32, #tpu.memory_space<hbm>>, %arg7: memref<3x10000xf32, #tpu.memory_space<vmem>>, %arg8: memref<3x10000xf32, #tpu.memory_space<vmem>>, %arg9: memref<4096xi32, #tpu.memory_space<vmem>>, %arg10: memref<4096xi32, #tpu.memory_space<vmem>>, %arg11: memref<4096xi32, #tpu.memory_space<vmem>>, %arg12: memref<4096xi32, #tpu.memory_space<vmem>>, %arg13: memref<4096xf32, #tpu.memory_space<vmem>>, %arg14: memref<4096xf32, #tpu.memory_space<vmem>>, %arg15: memref<!tpu.dma_semaphore, #tpu.memory_space<semaphore_mem>>, %arg16: memref<!tpu.dma_semaphore, #tpu.memory_space<semaphore_mem>>, %arg17: memref<!tpu.dma_semaphore, #tpu.memory_space<semaphore_mem>>) attributes {dimension_semantics = [#tpu.dimension_semantics<core_parallel>, #tpu.dimension_semantics<subcore_parallel>], iteration_bounds = array<i64: 2, 16>, scalar_prefetch = 0 : i64, scratch_operands = 11 : i64, tpu.core_type = #tpu.core_type<sc_vector_subcore>, window_params = [{transform_indices = #map}, {transform_indices = #map}, {transform_indices = #map}, {transform_indices = #map}, {transform_indices = #map1}]} {
    %mul3A = arith.constant 3 : i32
    %mul3A_0 = arith.muli %arg1, %mul3A : i32
    %dma_start3A = arith.constant 0 : i32
    %dma_start3A_1 = tpu.memref_slice %arg2[%mul3A_0, %dma_start3A] : memref<48x10000xf32, #tpu.memory_space<hbm>> -> memref<3x10000xf32, #tpu.memory_space<hbm>>
    %dma_start3A_2 = arith.constant 0 : i32
    %dma_start3A_3 = tpu.memref_slice %arg2[%mul3A_0, %dma_start3A_2] : memref<48x10000xf32, #tpu.memory_space<hbm>> -> memref<3x10000xf32, #tpu.memory_space<hbm>>
    tpu.enqueue_dma source(%dma_start3A_3 : memref<3x10000xf32, #tpu.memory_space<hbm>>) target(%arg7 : memref<3x10000xf32, #tpu.memory_space<vmem>>) target_semaphore(%arg15 : memref<!tpu.dma_semaphore, #tpu.memory_space<semaphore_mem>>)
    %mul3A_4 = arith.constant 40 : i32
    %mul3A_5 = arith.muli %arg0, %mul3A_4 : i32
    %add3A = arith.constant 0 : i32
    %add3A_6 = arith.addi %mul3A_5, %add3A : i32
    %dma_start3A_7 = arith.constant 0 : i32
    %dma_start3A_8 = tpu.memref_slice %arg3[%add3A_6, %dma_start3A_7] : memref<80x4096xi32, #tpu.memory_space<hbm>> -> memref<1x4096xi32, #tpu.memory_space<hbm>>
    %dma_start3A_9 = tpu.memref_squeeze %dma_start3A_8 : memref<1x4096xi32, #tpu.memory_space<hbm>> -> memref<4096xi32, #tpu.memory_space<hbm>>
    %dma_start3A_10 = arith.constant 0 : i32
    %dma_start3A_11 = tpu.memref_slice %arg3[%add3A_6, %dma_start3A_10] : memref<80x4096xi32, #tpu.memory_space<hbm>> -> memref<1x4096xi32, #tpu.memory_space<hbm>>
    %dma_start3A_12 = tpu.memref_squeeze %dma_start3A_11 : memref<1x4096xi32, #tpu.memory_space<hbm>> -> memref<4096xi32, #tpu.memory_space<hbm>>
    tpu.enqueue_dma source(%dma_start3A_12 : memref<4096xi32, #tpu.memory_space<hbm>>) target(%arg9 : memref<4096xi32, #tpu.memory_space<vmem>>) target_semaphore(%arg16 : memref<!tpu.dma_semaphore, #tpu.memory_space<semaphore_mem>>)
    %dma_start3A_13 = arith.constant 0 : i32
    %dma_start3A_14 = tpu.memref_slice %arg4[%add3A_6, %dma_start3A_13] : memref<80x4096xi32, #tpu.memory_space<hbm>> -> memref<1x4096xi32, #tpu.memory_space<hbm>>
    %dma_start3A_15 = tpu.memref_squeeze %dma_start3A_14 : memref<1x4096xi32, #tpu.memory_space<hbm>> -> memref<4096xi32, #tpu.memory_space<hbm>>
    %dma_start3A_16 = arith.constant 0 : i32
    %dma_start3A_17 = tpu.memref_slice %arg4[%add3A_6, %dma_start3A_16] : memref<80x4096xi32, #tpu.memory_space<hbm>> -> memref<1x4096xi32, #tpu.memory_space<hbm>>
    %dma_start3A_18 = tpu.memref_squeeze %dma_start3A_17 : memref<1x4096xi32, #tpu.memory_space<hbm>> -> memref<4096xi32, #tpu.memory_space<hbm>>
    tpu.enqueue_dma source(%dma_start3A_18 : memref<4096xi32, #tpu.memory_space<hbm>>) target(%arg11 : memref<4096xi32, #tpu.memory_space<vmem>>) target_semaphore(%arg16 : memref<!tpu.dma_semaphore, #tpu.memory_space<semaphore_mem>>)
    %dma_start3A_19 = arith.constant 0 : i32
    %dma_start3A_20 = tpu.memref_slice %arg5[%add3A_6, %dma_start3A_19] : memref<80x4096xf32, #tpu.memory_space<hbm>> -> memref<1x4096xf32, #tpu.memory_space<hbm>>
    %dma_start3A_21 = tpu.memref_squeeze %dma_start3A_20 : memref<1x4096xf32, #tpu.memory_space<hbm>> -> memref<4096xf32, #tpu.memory_space<hbm>>
    %dma_start3A_22 = arith.constant 0 : i32
    %dma_start3A_23 = tpu.memref_slice %arg5[%add3A_6, %dma_start3A_22] : memref<80x4096xf32, #tpu.memory_space<hbm>> -> memref<1x4096xf32, #tpu.memory_space<hbm>>
    %dma_start3A_24 = tpu.memref_squeeze %dma_start3A_23 : memref<1x4096xf32, #tpu.memory_space<hbm>> -> memref<4096xf32, #tpu.memory_space<hbm>>
    tpu.enqueue_dma source(%dma_start3A_24 : memref<4096xf32, #tpu.memory_space<hbm>>) target(%arg13 : memref<4096xf32, #tpu.memory_space<vmem>>) target_semaphore(%arg16 : memref<!tpu.dma_semaphore, #tpu.memory_space<semaphore_mem>>)
    %mul3A_25 = arith.constant 40 : i32
    %mul3A_26 = arith.muli %arg0, %mul3A_25 : i32
    %add3A_27 = arith.constant 1 : i32
    %add3A_28 = arith.addi %mul3A_26, %add3A_27 : i32
    %dma_start3A_29 = arith.constant 0 : i32
    %dma_start3A_30 = tpu.memref_slice %arg3[%add3A_28, %dma_start3A_29] : memref<80x4096xi32, #tpu.memory_space<hbm>> -> memref<1x4096xi32, #tpu.memory_space<hbm>>
    %dma_start3A_31 = tpu.memref_squeeze %dma_start3A_30 : memref<1x4096xi32, #tpu.memory_space<hbm>> -> memref<4096xi32, #tpu.memory_space<hbm>>
    %dma_start3A_32 = arith.constant 0 : i32
    %dma_start3A_33 = tpu.memref_slice %arg3[%add3A_28, %dma_start3A_32] : memref<80x4096xi32, #tpu.memory_space<hbm>> -> memref<1x4096xi32, #tpu.memory_space<hbm>>
    %dma_start3A_34 = tpu.memref_squeeze %dma_start3A_33 : memref<1x4096xi32, #tpu.memory_space<hbm>> -> memref<4096xi32, #tpu.memory_space<hbm>>
    tpu.enqueue_dma source(%dma_start3A_34 : memref<4096xi32, #tpu.memory_space<hbm>>) target(%arg10 : memref<4096xi32, #tpu.memory_space<vmem>>) target_semaphore(%arg17 : memref<!tpu.dma_semaphore, #tpu.memory_space<semaphore_mem>>)
    %dma_start3A_35 = arith.constant 0 : i32
    %dma_start3A_36 = tpu.memref_slice %arg4[%add3A_28, %dma_start3A_35] : memref<80x4096xi32, #tpu.memory_space<hbm>> -> memref<1x4096xi32, #tpu.memory_space<hbm>>
    %dma_start3A_37 = tpu.memref_squeeze %dma_start3A_36 : memref<1x4096xi32, #tpu.memory_space<hbm>> -> memref<4096xi32, #tpu.memory_space<hbm>>
    %dma_start3A_38 = arith.constant 0 : i32
    %dma_start3A_39 = tpu.memref_slice %arg4[%add3A_28, %dma_start3A_38] : memref<80x4096xi32, #tpu.memory_space<hbm>> -> memref<1x4096xi32, #tpu.memory_space<hbm>>
    %dma_start3A_40 = tpu.memref_squeeze %dma_start3A_39 : memref<1x4096xi32, #tpu.memory_space<hbm>> -> memref<4096xi32, #tpu.memory_space<hbm>>
    tpu.enqueue_dma source(%dma_start3A_40 : memref<4096xi32, #tpu.memory_space<hbm>>) target(%arg12 : memref<4096xi32, #tpu.memory_space<vmem>>) target_semaphore(%arg17 : memref<!tpu.dma_semaphore, #tpu.memory_space<semaphore_mem>>)
    %dma_start3A_41 = arith.constant 0 : i32
    %dma_start3A_42 = tpu.memref_slice %arg5[%add3A_28, %dma_start3A_41] : memref<80x4096xf32, #tpu.memory_space<hbm>> -> memref<1x4096xf32, #tpu.memory_space<hbm>>
    %dma_start3A_43 = tpu.memref_squeeze %dma_start3A_42 : memref<1x4096xf32, #tpu.memory_space<hbm>> -> memref<4096xf32, #tpu.memory_space<hbm>>
    %dma_start3A_44 = arith.constant 0 : i32
    %dma_start3A_45 = tpu.memref_slice %arg5[%add3A_28, %dma_start3A_44] : memref<80x4096xf32, #tpu.memory_space<hbm>> -> memref<1x4096xf32, #tpu.memory_space<hbm>>
    %dma_start3A_46 = tpu.memref_squeeze %dma_start3A_45 : memref<1x4096xf32, #tpu.memory_space<hbm>> -> memref<4096xf32, #tpu.memory_space<hbm>>
    tpu.enqueue_dma source(%dma_start3A_46 : memref<4096xf32, #tpu.memory_space<hbm>>) target(%arg14 : memref<4096xf32, #tpu.memory_space<vmem>>) target_semaphore(%arg17 : memref<!tpu.dma_semaphore, #tpu.memory_space<semaphore_mem>>)
    %broadcast_in_dim3A = arith.constant 0.000000e+00 : f32
    %broadcast_in_dim3A_47 = vector.broadcast %broadcast_in_dim3A : f32 to vector<16xf32>
    %scan3A = arith.constant 0 : i32
    %scan3A_48 = arith.constant 625 : i32
    %scan3A_49 = arith.addi %scan3A, %scan3A_48 : i32
    %scan3A_50 = arith.constant 1 : i32
    scf.for %scan3A_79 = %scan3A to %scan3A_49 step %scan3A_50  : i32 {
      %mul3A_80 = arith.constant 16 : i32
      %mul3A_81 = arith.muli %scan3A_79, %mul3A_80 : i32
      %add3A_82 = arith.constant 0 : i32
      %add3A_83 = arith.addi %add3A_82, %mul3A_81 : i32
      %swap3A = arith.constant 0 : i32
      %swap3A_84 = arith.index_cast %swap3A : i32 to index
      %swap3A_85 = arith.index_cast %add3A_83 : i32 to index
      %swap3A_86 = tpu.vector_load %arg8[%swap3A_84, %swap3A_85] {strides = array<i32>} : memref<3x10000xf32, #tpu.memory_space<vmem>>, vector<16xf32>,
      tpu.vector_store %arg8[%swap3A_84, %swap3A_85], %broadcast_in_dim3A_47 {strides = array<i32>} : memref<3x10000xf32, #tpu.memory_space<vmem>>, vector<16xf32>,
      %swap3A_87 = arith.constant 1 : i32
      %swap3A_88 = arith.index_cast %swap3A_87 : i32 to index
      %swap3A_89 = arith.index_cast %add3A_83 : i32 to index
      %swap3A_90 = tpu.vector_load %arg8[%swap3A_88, %swap3A_89] {strides = array<i32>} : memref<3x10000xf32, #tpu.memory_space<vmem>>, vector<16xf32>,
      tpu.vector_store %arg8[%swap3A_88, %swap3A_89], %broadcast_in_dim3A_47 {strides = array<i32>} : memref<3x10000xf32, #tpu.memory_space<vmem>>, vector<16xf32>,
      %swap3A_91 = arith.constant 2 : i32
      %swap3A_92 = arith.index_cast %swap3A_91 : i32 to index
      %swap3A_93 = arith.index_cast %add3A_83 : i32 to index
      %swap3A_94 = tpu.vector_load %arg8[%swap3A_92, %swap3A_93] {strides = array<i32>} : memref<3x10000xf32, #tpu.memory_space<vmem>>, vector<16xf32>,
      tpu.vector_store %arg8[%swap3A_92, %swap3A_93], %broadcast_in_dim3A_47 {strides = array<i32>} : memref<3x10000xf32, #tpu.memory_space<vmem>>, vector<16xf32>,
    }
    %scan3A_51 = arith.constant 625 : i32
    %dma_wait3A = arith.constant 0 : i32
    %dma_wait3A_52 = tpu.memref_slice %arg2[%mul3A_0, %dma_wait3A] : memref<48x10000xf32, #tpu.memory_space<hbm>> -> memref<3x10000xf32, #tpu.memory_space<hbm>>
    %dma_wait3A_53 = arith.constant 0 : i32
    %dma_wait3A_54 = tpu.memref_slice %arg2[%mul3A_0, %dma_wait3A_53] : memref<48x10000xf32, #tpu.memory_space<hbm>> -> memref<3x10000xf32, #tpu.memory_space<hbm>>
    tpu.wait_dma2 semaphore(%arg15 : memref<!tpu.dma_semaphore, #tpu.memory_space<semaphore_mem>>) src(%dma_wait3A_54 : memref<3x10000xf32, #tpu.memory_space<hbm>>) dst(%arg7 : memref<3x10000xf32, #tpu.memory_space<vmem>>)
    %scan3A_55 = arith.constant 0 : i32
    %scan3A_56 = arith.constant 20 : i32
    %scan3A_57 = arith.addi %scan3A_55, %scan3A_56 : i32
    %scan3A_58 = arith.constant 1 : i32
    scf.for %scan3A_79 = %scan3A_55 to %scan3A_57 step %scan3A_58  : i32 {
      %mul3A_80 = arith.constant 2 : i32
      %mul3A_81 = arith.muli %scan3A_79, %mul3A_80 : i32
      %add3A_82 = arith.constant 0 : i32
      %add3A_83 = arith.addi %add3A_82, %mul3A_81 : i32
      %add3A_84 = arith.constant 0 : i32
      %add3A_85 = arith.addi %add3A_83, %add3A_84 : i32
      %mul3A_86 = arith.constant 40 : i32
      %mul3A_87 = arith.muli %arg0, %mul3A_86 : i32
      %add3A_88 = arith.addi %mul3A_87, %add3A_85 : i32
      %dma_wait3A_89 = arith.constant 0 : i32
      %dma_wait3A_90 = tpu.memref_slice %arg3[%add3A_88, %dma_wait3A_89] : memref<80x4096xi32, #tpu.memory_space<hbm>> -> memref<1x4096xi32, #tpu.memory_space<hbm>>
      %dma_wait3A_91 = tpu.memref_squeeze %dma_wait3A_90 : memref<1x4096xi32, #tpu.memory_space<hbm>> -> memref<4096xi32, #tpu.memory_space<hbm>>
      %dma_wait3A_92 = arith.constant 0 : i32
      %dma_wait3A_93 = tpu.memref_slice %arg3[%add3A_88, %dma_wait3A_92] : memref<80x4096xi32, #tpu.memory_space<hbm>> -> memref<1x4096xi32, #tpu.memory_space<hbm>>
      %dma_wait3A_94 = tpu.memref_squeeze %dma_wait3A_93 : memref<1x4096xi32, #tpu.memory_space<hbm>> -> memref<4096xi32, #tpu.memory_space<hbm>>
      tpu.wait_dma2 semaphore(%arg16 : memref<!tpu.dma_semaphore, #tpu.memory_space<semaphore_mem>>) src(%dma_wait3A_94 : memref<4096xi32, #tpu.memory_space<hbm>>) dst(%arg9 : memref<4096xi32, #tpu.memory_space<vmem>>)
      %dma_wait3A_95 = arith.constant 0 : i32
      %dma_wait3A_96 = tpu.memref_slice %arg4[%add3A_88, %dma_wait3A_95] : memref<80x4096xi32, #tpu.memory_space<hbm>> -> memref<1x4096xi32, #tpu.memory_space<hbm>>
      %dma_wait3A_97 = tpu.memref_squeeze %dma_wait3A_96 : memref<1x4096xi32, #tpu.memory_space<hbm>> -> memref<4096xi32, #tpu.memory_space<hbm>>
      %dma_wait3A_98 = arith.constant 0 : i32
      %dma_wait3A_99 = tpu.memref_slice %arg4[%add3A_88, %dma_wait3A_98] : memref<80x4096xi32, #tpu.memory_space<hbm>> -> memref<1x4096xi32, #tpu.memory_space<hbm>>
      %dma_wait3A_100 = tpu.memref_squeeze %dma_wait3A_99 : memref<1x4096xi32, #tpu.memory_space<hbm>> -> memref<4096xi32, #tpu.memory_space<hbm>>
      tpu.wait_dma2 semaphore(%arg16 : memref<!tpu.dma_semaphore, #tpu.memory_space<semaphore_mem>>) src(%dma_wait3A_100 : memref<4096xi32, #tpu.memory_space<hbm>>) dst(%arg11 : memref<4096xi32, #tpu.memory_space<vmem>>)
      %dma_wait3A_101 = arith.constant 0 : i32
      %dma_wait3A_102 = tpu.memref_slice %arg5[%add3A_88, %dma_wait3A_101] : memref<80x4096xf32, #tpu.memory_space<hbm>> -> memref<1x4096xf32, #tpu.memory_space<hbm>>
      %dma_wait3A_103 = tpu.memref_squeeze %dma_wait3A_102 : memref<1x4096xf32, #tpu.memory_space<hbm>> -> memref<4096xf32, #tpu.memory_space<hbm>>
      %dma_wait3A_104 = arith.constant 0 : i32
      %dma_wait3A_105 = tpu.memref_slice %arg5[%add3A_88, %dma_wait3A_104] : memref<80x4096xf32, #tpu.memory_space<hbm>> -> memref<1x4096xf32, #tpu.memory_space<hbm>>
      %dma_wait3A_106 = tpu.memref_squeeze %dma_wait3A_105 : memref<1x4096xf32, #tpu.memory_space<hbm>> -> memref<4096xf32, #tpu.memory_space<hbm>>
      tpu.wait_dma2 semaphore(%arg16 : memref<!tpu.dma_semaphore, #tpu.memory_space<semaphore_mem>>) src(%dma_wait3A_106 : memref<4096xf32, #tpu.memory_space<hbm>>) dst(%arg13 : memref<4096xf32, #tpu.memory_space<vmem>>)
      %parallel_loop3A = arith.constant 0 : i32
      %parallel_loop3A_107 = arith.constant 4096 : i32
      %parallel_loop3A_108 = arith.constant 16 : i32
      scf.for %parallel_loop3A_146 = %parallel_loop3A to %parallel_loop3A_107 step %parallel_loop3A_108  : i32 {
        %parallel_loop3A_147 = arith.index_cast %parallel_loop3A_146 : i32 to index
        %parallel_loop3A_148 = tpu.vector_load %arg9[%parallel_loop3A_147] {strides = array<i32>} : memref<4096xi32, #tpu.memory_space<vmem>>, vector<16xi32>,
        %parallel_loop3A_149 = arith.index_cast %parallel_loop3A_146 : i32 to index
        %parallel_loop3A_150 = tpu.vector_load %arg11[%parallel_loop3A_149] {strides = array<i32>} : memref<4096xi32, #tpu.memory_space<vmem>>, vector<16xi32>,
        %parallel_loop3A_151 = arith.index_cast %parallel_loop3A_146 : i32 to index
        %parallel_loop3A_152 = tpu.vector_load %arg13[%parallel_loop3A_151] {strides = array<i32>} : memref<4096xf32, #tpu.memory_space<vmem>>, vector<16xf32>,
        %parallel_loop3A_153 = arith.constant 0 : i32
        %parallel_loop3A_154 = vector.broadcast %parallel_loop3A_153 : i32 to vector<16xi32>
        %parallel_loop3A_155 = tpu.vector_load_idx %arg7[%parallel_loop3A_154, %parallel_loop3A_148] : memref<3x10000xf32, #tpu.memory_space<vmem>>[vector<16xi32>, vector<16xi32>], vector<16xf32>,
        %parallel_loop3A_156 = arith.mulf %parallel_loop3A_155, %parallel_loop3A_152 : vector<16xf32>
        tpu.vector_store_idx %arg8[%parallel_loop3A_154, %parallel_loop3A_150], %parallel_loop3A_156 {add = true} : memref<3x10000xf32, #tpu.memory_space<vmem>>[vector<16xi32>, vector<16xi32>], vector<16xf32>,
        %parallel_loop3A_157 = arith.constant 1 : i32
        %parallel_loop3A_158 = vector.broadcast %parallel_loop3A_157 : i32 to vector<16xi32>
        %parallel_loop3A_159 = tpu.vector_load_idx %arg7[%parallel_loop3A_158, %parallel_loop3A_148] : memref<3x10000xf32, #tpu.memory_space<vmem>>[vector<16xi32>, vector<16xi32>], vector<16xf32>,
        %parallel_loop3A_160 = arith.mulf %parallel_loop3A_159, %parallel_loop3A_152 : vector<16xf32>
        tpu.vector_store_idx %arg8[%parallel_loop3A_158, %parallel_loop3A_150], %parallel_loop3A_160 {add = true} : memref<3x10000xf32, #tpu.memory_space<vmem>>[vector<16xi32>, vector<16xi32>], vector<16xf32>,
        %parallel_loop3A_161 = arith.constant 2 : i32
        %parallel_loop3A_162 = vector.broadcast %parallel_loop3A_161 : i32 to vector<16xi32>
        %parallel_loop3A_163 = tpu.vector_load_idx %arg7[%parallel_loop3A_162, %parallel_loop3A_148] : memref<3x10000xf32, #tpu.memory_space<vmem>>[vector<16xi32>, vector<16xi32>], vector<16xf32>,
        %parallel_loop3A_164 = arith.mulf %parallel_loop3A_163, %parallel_loop3A_152 : vector<16xf32>
        tpu.vector_store_idx %arg8[%parallel_loop3A_162, %parallel_loop3A_150], %parallel_loop3A_164 {add = true} : memref<3x10000xf32, #tpu.memory_space<vmem>>[vector<16xi32>, vector<16xi32>], vector<16xf32>,
      } {sc.loop_unroll_factor = 4 : i64, sc.parallel_access}
      %add3A_109 = arith.constant 2 : i32
      %add3A_110 = arith.addi %add3A_85, %add3A_109 : i32
      %lt3A = arith.constant 40 : i32
      %lt3A_111 = arith.cmpi slt, %add3A_110, %lt3A : i32
      %convert_element_type3A = arith.extui %lt3A_111 : i1 to i32
      %cond3A = arith.constant 0 : i32
      %cond3A_112 = arith.cmpi ne, %convert_element_type3A, %cond3A : i32
      scf.if %cond3A_112 {
        %mul3A_146 = arith.constant 40 : i32
        %mul3A_147 = arith.muli %arg0, %mul3A_146 : i32
        %add3A_148 = arith.addi %mul3A_147, %add3A_85 : i32
        %add3A_149 = arith.constant 2 : i32
        %add3A_150 = arith.addi %add3A_148, %add3A_149 : i32
        %dma_start3A_151 = arith.constant 0 : i32
        %dma_start3A_152 = tpu.memref_slice %arg3[%add3A_150, %dma_start3A_151] : memref<80x4096xi32, #tpu.memory_space<hbm>> -> memref<1x4096xi32, #tpu.memory_space<hbm>>
        %dma_start3A_153 = tpu.memref_squeeze %dma_start3A_152 : memref<1x4096xi32, #tpu.memory_space<hbm>> -> memref<4096xi32, #tpu.memory_space<hbm>>
        %dma_start3A_154 = arith.constant 0 : i32
        %dma_start3A_155 = tpu.memref_slice %arg3[%add3A_150, %dma_start3A_154] : memref<80x4096xi32, #tpu.memory_space<hbm>> -> memref<1x4096xi32, #tpu.memory_space<hbm>>
        %dma_start3A_156 = tpu.memref_squeeze %dma_start3A_155 : memref<1x4096xi32, #tpu.memory_space<hbm>> -> memref<4096xi32, #tpu.memory_space<hbm>>
        tpu.enqueue_dma source(%dma_start3A_156 : memref<4096xi32, #tpu.memory_space<hbm>>) target(%arg9 : memref<4096xi32, #tpu.memory_space<vmem>>) target_semaphore(%arg16 : memref<!tpu.dma_semaphore, #tpu.memory_space<semaphore_mem>>)
        %dma_start3A_157 = arith.constant 0 : i32
        %dma_start3A_158 = tpu.memref_slice %arg4[%add3A_150, %dma_start3A_157] : memref<80x4096xi32, #tpu.memory_space<hbm>> -> memref<1x4096xi32, #tpu.memory_space<hbm>>
        %dma_start3A_159 = tpu.memref_squeeze %dma_start3A_158 : memref<1x4096xi32, #tpu.memory_space<hbm>> -> memref<4096xi32, #tpu.memory_space<hbm>>
        %dma_start3A_160 = arith.constant 0 : i32
        %dma_start3A_161 = tpu.memref_slice %arg4[%add3A_150, %dma_start3A_160] : memref<80x4096xi32, #tpu.memory_space<hbm>> -> memref<1x4096xi32, #tpu.memory_space<hbm>>
        %dma_start3A_162 = tpu.memref_squeeze %dma_start3A_161 : memref<1x4096xi32, #tpu.memory_space<hbm>> -> memref<4096xi32, #tpu.memory_space<hbm>>
        tpu.enqueue_dma source(%dma_start3A_162 : memref<4096xi32, #tpu.memory_space<hbm>>) target(%arg11 : memref<4096xi32, #tpu.memory_space<vmem>>) target_semaphore(%arg16 : memref<!tpu.dma_semaphore, #tpu.memory_space<semaphore_mem>>)
        %dma_start3A_163 = arith.constant 0 : i32
        %dma_start3A_164 = tpu.memref_slice %arg5[%add3A_150, %dma_start3A_163] : memref<80x4096xf32, #tpu.memory_space<hbm>> -> memref<1x4096xf32, #tpu.memory_space<hbm>>
        %dma_start3A_165 = tpu.memref_squeeze %dma_start3A_164 : memref<1x4096xf32, #tpu.memory_space<hbm>> -> memref<4096xf32, #tpu.memory_space<hbm>>
        %dma_start3A_166 = arith.constant 0 : i32
        %dma_start3A_167 = tpu.memref_slice %arg5[%add3A_150, %dma_start3A_166] : memref<80x4096xf32, #tpu.memory_space<hbm>> -> memref<1x4096xf32, #tpu.memory_space<hbm>>
        %dma_start3A_168 = tpu.memref_squeeze %dma_start3A_167 : memref<1x4096xf32, #tpu.memory_space<hbm>> -> memref<4096xf32, #tpu.memory_space<hbm>>
        tpu.enqueue_dma source(%dma_start3A_168 : memref<4096xf32, #tpu.memory_space<hbm>>) target(%arg13 : memref<4096xf32, #tpu.memory_space<vmem>>) target_semaphore(%arg16 : memref<!tpu.dma_semaphore, #tpu.memory_space<semaphore_mem>>)
      } else {
      }
      %add3A_113 = arith.constant 1 : i32
      %add3A_114 = arith.addi %add3A_83, %add3A_113 : i32
      %mul3A_115 = arith.constant 40 : i32
      %mul3A_116 = arith.muli %arg0, %mul3A_115 : i32
      %add3A_117 = arith.addi %mul3A_116, %add3A_114 : i32
      %dma_wait3A_118 = arith.constant 0 : i32
      %dma_wait3A_119 = tpu.memref_slice %arg3[%add3A_117, %dma_wait3A_118] : memref<80x4096xi32, #tpu.memory_space<hbm>> -> memref<1x4096xi32, #tpu.memory_space<hbm>>
      %dma_wait3A_120 = tpu.memref_squeeze %dma_wait3A_119 : memref<1x4096xi32, #tpu.memory_space<hbm>> -> memref<4096xi32, #tpu.memory_space<hbm>>
      %dma_wait3A_121 = arith.constant 0 : i32
      %dma_wait3A_122 = tpu.memref_slice %arg3[%add3A_117, %dma_wait3A_121] : memref<80x4096xi32, #tpu.memory_space<hbm>> -> memref<1x4096xi32, #tpu.memory_space<hbm>>
      %dma_wait3A_123 = tpu.memref_squeeze %dma_wait3A_122 : memref<1x4096xi32, #tpu.memory_space<hbm>> -> memref<4096xi32, #tpu.memory_space<hbm>>
      tpu.wait_dma2 semaphore(%arg17 : memref<!tpu.dma_semaphore, #tpu.memory_space<semaphore_mem>>) src(%dma_wait3A_123 : memref<4096xi32, #tpu.memory_space<hbm>>) dst(%arg10 : memref<4096xi32, #tpu.memory_space<vmem>>)
      %dma_wait3A_124 = arith.constant 0 : i32
      %dma_wait3A_125 = tpu.memref_slice %arg4[%add3A_117, %dma_wait3A_124] : memref<80x4096xi32, #tpu.memory_space<hbm>> -> memref<1x4096xi32, #tpu.memory_space<hbm>>
      %dma_wait3A_126 = tpu.memref_squeeze %dma_wait3A_125 : memref<1x4096xi32, #tpu.memory_space<hbm>> -> memref<4096xi32, #tpu.memory_space<hbm>>
      %dma_wait3A_127 = arith.constant 0 : i32
      %dma_wait3A_128 = tpu.memref_slice %arg4[%add3A_117, %dma_wait3A_127] : memref<80x4096xi32, #tpu.memory_space<hbm>> -> memref<1x4096xi32, #tpu.memory_space<hbm>>
      %dma_wait3A_129 = tpu.memref_squeeze %dma_wait3A_128 : memref<1x4096xi32, #tpu.memory_space<hbm>> -> memref<4096xi32, #tpu.memory_space<hbm>>
      tpu.wait_dma2 semaphore(%arg17 : memref<!tpu.dma_semaphore, #tpu.memory_space<semaphore_mem>>) src(%dma_wait3A_129 : memref<4096xi32, #tpu.memory_space<hbm>>) dst(%arg12 : memref<4096xi32, #tpu.memory_space<vmem>>)
      %dma_wait3A_130 = arith.constant 0 : i32
      %dma_wait3A_131 = tpu.memref_slice %arg5[%add3A_117, %dma_wait3A_130] : memref<80x4096xf32, #tpu.memory_space<hbm>> -> memref<1x4096xf32, #tpu.memory_space<hbm>>
      %dma_wait3A_132 = tpu.memref_squeeze %dma_wait3A_131 : memref<1x4096xf32, #tpu.memory_space<hbm>> -> memref<4096xf32, #tpu.memory_space<hbm>>
      %dma_wait3A_133 = arith.constant 0 : i32
      %dma_wait3A_134 = tpu.memref_slice %arg5[%add3A_117, %dma_wait3A_133] : memref<80x4096xf32, #tpu.memory_space<hbm>> -> memref<1x4096xf32, #tpu.memory_space<hbm>>
      %dma_wait3A_135 = tpu.memref_squeeze %dma_wait3A_134 : memref<1x4096xf32, #tpu.memory_space<hbm>> -> memref<4096xf32, #tpu.memory_space<hbm>>
      tpu.wait_dma2 semaphore(%arg17 : memref<!tpu.dma_semaphore, #tpu.memory_space<semaphore_mem>>) src(%dma_wait3A_135 : memref<4096xf32, #tpu.memory_space<hbm>>) dst(%arg14 : memref<4096xf32, #tpu.memory_space<vmem>>)
      %parallel_loop3A_136 = arith.constant 0 : i32
      %parallel_loop3A_137 = arith.constant 4096 : i32
      %parallel_loop3A_138 = arith.constant 16 : i32
      scf.for %parallel_loop3A_146 = %parallel_loop3A_136 to %parallel_loop3A_137 step %parallel_loop3A_138  : i32 {
        %parallel_loop3A_147 = arith.index_cast %parallel_loop3A_146 : i32 to index
        %parallel_loop3A_148 = tpu.vector_load %arg10[%parallel_loop3A_147] {strides = array<i32>} : memref<4096xi32, #tpu.memory_space<vmem>>, vector<16xi32>,
        %parallel_loop3A_149 = arith.index_cast %parallel_loop3A_146 : i32 to index
        %parallel_loop3A_150 = tpu.vector_load %arg12[%parallel_loop3A_149] {strides = array<i32>} : memref<4096xi32, #tpu.memory_space<vmem>>, vector<16xi32>,
        %parallel_loop3A_151 = arith.index_cast %parallel_loop3A_146 : i32 to index
        %parallel_loop3A_152 = tpu.vector_load %arg14[%parallel_loop3A_151] {strides = array<i32>} : memref<4096xf32, #tpu.memory_space<vmem>>, vector<16xf32>,
        %parallel_loop3A_153 = arith.constant 0 : i32
        %parallel_loop3A_154 = vector.broadcast %parallel_loop3A_153 : i32 to vector<16xi32>
        %parallel_loop3A_155 = tpu.vector_load_idx %arg7[%parallel_loop3A_154, %parallel_loop3A_148] : memref<3x10000xf32, #tpu.memory_space<vmem>>[vector<16xi32>, vector<16xi32>], vector<16xf32>,
        %parallel_loop3A_156 = arith.mulf %parallel_loop3A_155, %parallel_loop3A_152 : vector<16xf32>
        tpu.vector_store_idx %arg8[%parallel_loop3A_154, %parallel_loop3A_150], %parallel_loop3A_156 {add = true} : memref<3x10000xf32, #tpu.memory_space<vmem>>[vector<16xi32>, vector<16xi32>], vector<16xf32>,
        %parallel_loop3A_157 = arith.constant 1 : i32
        %parallel_loop3A_158 = vector.broadcast %parallel_loop3A_157 : i32 to vector<16xi32>
        %parallel_loop3A_159 = tpu.vector_load_idx %arg7[%parallel_loop3A_158, %parallel_loop3A_148] : memref<3x10000xf32, #tpu.memory_space<vmem>>[vector<16xi32>, vector<16xi32>], vector<16xf32>,
        %parallel_loop3A_160 = arith.mulf %parallel_loop3A_159, %parallel_loop3A_152 : vector<16xf32>
        tpu.vector_store_idx %arg8[%parallel_loop3A_158, %parallel_loop3A_150], %parallel_loop3A_160 {add = true} : memref<3x10000xf32, #tpu.memory_space<vmem>>[vector<16xi32>, vector<16xi32>], vector<16xf32>,
        %parallel_loop3A_161 = arith.constant 2 : i32
        %parallel_loop3A_162 = vector.broadcast %parallel_loop3A_161 : i32 to vector<16xi32>
        %parallel_loop3A_163 = tpu.vector_load_idx %arg7[%parallel_loop3A_162, %parallel_loop3A_148] : memref<3x10000xf32, #tpu.memory_space<vmem>>[vector<16xi32>, vector<16xi32>], vector<16xf32>,
        %parallel_loop3A_164 = arith.mulf %parallel_loop3A_163, %parallel_loop3A_152 : vector<16xf32>
        tpu.vector_store_idx %arg8[%parallel_loop3A_162, %parallel_loop3A_150], %parallel_loop3A_164 {add = true} : memref<3x10000xf32, #tpu.memory_space<vmem>>[vector<16xi32>, vector<16xi32>], vector<16xf32>,
      } {sc.loop_unroll_factor = 4 : i64, sc.parallel_access}
      %add3A_139 = arith.constant 2 : i32
      %add3A_140 = arith.addi %add3A_114, %add3A_139 : i32
      %lt3A_141 = arith.constant 40 : i32
      %lt3A_142 = arith.cmpi slt, %add3A_140, %lt3A_141 : i32
      %convert_element_type3A_143 = arith.extui %lt3A_142 : i1 to i32
      %cond3A_144 = arith.constant 0 : i32
      %cond3A_145 = arith.cmpi ne, %convert_element_type3A_143, %cond3A_144 : i32
      scf.if %cond3A_145 {
        %mul3A_146 = arith.constant 40 : i32
        %mul3A_147 = arith.muli %arg0, %mul3A_146 : i32
        %add3A_148 = arith.addi %mul3A_147, %add3A_114 : i32
        %add3A_149 = arith.constant 2 : i32
        %add3A_150 = arith.addi %add3A_148, %add3A_149 : i32
        %dma_start3A_151 = arith.constant 0 : i32
        %dma_start3A_152 = tpu.memref_slice %arg3[%add3A_150, %dma_start3A_151] : memref<80x4096xi32, #tpu.memory_space<hbm>> -> memref<1x4096xi32, #tpu.memory_space<hbm>>
        %dma_start3A_153 = tpu.memref_squeeze %dma_start3A_152 : memref<1x4096xi32, #tpu.memory_space<hbm>> -> memref<4096xi32, #tpu.memory_space<hbm>>
        %dma_start3A_154 = arith.constant 0 : i32
        %dma_start3A_155 = tpu.memref_slice %arg3[%add3A_150, %dma_start3A_154] : memref<80x4096xi32, #tpu.memory_space<hbm>> -> memref<1x4096xi32, #tpu.memory_space<hbm>>
        %dma_start3A_156 = tpu.memref_squeeze %dma_start3A_155 : memref<1x4096xi32, #tpu.memory_space<hbm>> -> memref<4096xi32, #tpu.memory_space<hbm>>
        tpu.enqueue_dma source(%dma_start3A_156 : memref<4096xi32, #tpu.memory_space<hbm>>) target(%arg10 : memref<4096xi32, #tpu.memory_space<vmem>>) target_semaphore(%arg17 : memref<!tpu.dma_semaphore, #tpu.memory_space<semaphore_mem>>)
        %dma_start3A_157 = arith.constant 0 : i32
        %dma_start3A_158 = tpu.memref_slice %arg4[%add3A_150, %dma_start3A_157] : memref<80x4096xi32, #tpu.memory_space<hbm>> -> memref<1x4096xi32, #tpu.memory_space<hbm>>
        %dma_start3A_159 = tpu.memref_squeeze %dma_start3A_158 : memref<1x4096xi32, #tpu.memory_space<hbm>> -> memref<4096xi32, #tpu.memory_space<hbm>>
        %dma_start3A_160 = arith.constant 0 : i32
        %dma_start3A_161 = tpu.memref_slice %arg4[%add3A_150, %dma_start3A_160] : memref<80x4096xi32, #tpu.memory_space<hbm>> -> memref<1x4096xi32, #tpu.memory_space<hbm>>
        %dma_start3A_162 = tpu.memref_squeeze %dma_start3A_161 : memref<1x4096xi32, #tpu.memory_space<hbm>> -> memref<4096xi32, #tpu.memory_space<hbm>>
        tpu.enqueue_dma source(%dma_start3A_162 : memref<4096xi32, #tpu.memory_space<hbm>>) target(%arg12 : memref<4096xi32, #tpu.memory_space<vmem>>) target_semaphore(%arg17 : memref<!tpu.dma_semaphore, #tpu.memory_space<semaphore_mem>>)
        %dma_start3A_163 = arith.constant 0 : i32
        %dma_start3A_164 = tpu.memref_slice %arg5[%add3A_150, %dma_start3A_163] : memref<80x4096xf32, #tpu.memory_space<hbm>> -> memref<1x4096xf32, #tpu.memory_space<hbm>>
        %dma_start3A_165 = tpu.memref_squeeze %dma_start3A_164 : memref<1x4096xf32, #tpu.memory_space<hbm>> -> memref<4096xf32, #tpu.memory_space<hbm>>
        %dma_start3A_166 = arith.constant 0 : i32
        %dma_start3A_167 = tpu.memref_slice %arg5[%add3A_150, %dma_start3A_166] : memref<80x4096xf32, #tpu.memory_space<hbm>> -> memref<1x4096xf32, #tpu.memory_space<hbm>>
        %dma_start3A_168 = tpu.memref_squeeze %dma_start3A_167 : memref<1x4096xf32, #tpu.memory_space<hbm>> -> memref<4096xf32, #tpu.memory_space<hbm>>
        tpu.enqueue_dma source(%dma_start3A_168 : memref<4096xf32, #tpu.memory_space<hbm>>) target(%arg14 : memref<4096xf32, #tpu.memory_space<vmem>>) target_semaphore(%arg17 : memref<!tpu.dma_semaphore, #tpu.memory_space<semaphore_mem>>)
      } else {
      }
    }
    %scan3A_59 = arith.constant 20 : i32
    %mul3A_60 = arith.constant 16 : i32
    %mul3A_61 = arith.muli %arg0, %mul3A_60 : i32
    %add3A_62 = arith.addi %mul3A_61, %arg1 : i32
    %dma_start3A_63 = arith.constant 0 : i32
    %dma_start3A_64 = arith.constant 0 : i32
    %dma_start3A_65 = tpu.memref_slice %arg6[%add3A_62, %dma_start3A_63, %dma_start3A_64] : memref<32x3x10000xf32, #tpu.memory_space<hbm>> -> memref<1x3x10000xf32, #tpu.memory_space<hbm>>
    %dma_start3A_66 = tpu.memref_squeeze %dma_start3A_65 : memref<1x3x10000xf32, #tpu.memory_space<hbm>> -> memref<3x10000xf32, #tpu.memory_space<hbm>>
    %dma_start3A_67 = arith.constant 0 : i32
    %dma_start3A_68 = arith.constant 0 : i32
    %dma_start3A_69 = tpu.memref_slice %arg6[%add3A_62, %dma_start3A_67, %dma_start3A_68] : memref<32x3x10000xf32, #tpu.memory_space<hbm>> -> memref<1x3x10000xf32, #tpu.memory_space<hbm>>
    %dma_start3A_70 = tpu.memref_squeeze %dma_start3A_69 : memref<1x3x10000xf32, #tpu.memory_space<hbm>> -> memref<3x10000xf32, #tpu.memory_space<hbm>>
    tpu.enqueue_dma source(%arg8 : memref<3x10000xf32, #tpu.memory_space<vmem>>) target(%dma_start3A_70 : memref<3x10000xf32, #tpu.memory_space<hbm>>) target_semaphore(%arg15 : memref<!tpu.dma_semaphore, #tpu.memory_space<semaphore_mem>>)
    %dma_wait3A_71 = arith.constant 0 : i32
    %dma_wait3A_72 = arith.constant 0 : i32
    %dma_wait3A_73 = tpu.memref_slice %arg6[%add3A_62, %dma_wait3A_71, %dma_wait3A_72] : memref<32x3x10000xf32, #tpu.memory_space<hbm>> -> memref<1x3x10000xf32, #tpu.memory_space<hbm>>
    %dma_wait3A_74 = tpu.memref_squeeze %dma_wait3A_73 : memref<1x3x10000xf32, #tpu.memory_space<hbm>> -> memref<3x10000xf32, #tpu.memory_space<hbm>>
    %dma_wait3A_75 = arith.constant 0 : i32
    %dma_wait3A_76 = arith.constant 0 : i32
    %dma_wait3A_77 = tpu.memref_slice %arg6[%add3A_62, %dma_wait3A_75, %dma_wait3A_76] : memref<32x3x10000xf32, #tpu.memory_space<hbm>> -> memref<1x3x10000xf32, #tpu.memory_space<hbm>>
    %dma_wait3A_78 = tpu.memref_squeeze %dma_wait3A_77 : memref<1x3x10000xf32, #tpu.memory_space<hbm>> -> memref<3x10000xf32, #tpu.memory_space<hbm>>
    tpu.wait_dma2 semaphore(%arg15 : memref<!tpu.dma_semaphore, #tpu.memory_space<semaphore_mem>>) src(%arg8 : memref<3x10000xf32, #tpu.memory_space<vmem>>) dst(%dma_wait3A_78 : memref<3x10000xf32, #tpu.memory_space<hbm>>)
    return
  }
}

#map = affine_map<(d0, d1) -> (0, 0)>
module attributes {stable_mosaic.version = 14 : i64} {
  func.func @_deg_body(%arg0: i32, %arg1: i32, %arg2: memref<32x10240xi32, #tpu.memory_space<hbm>>, %arg3: memref<32x10240xf32, #tpu.memory_space<hbm>>, %arg4: memref<32x10000xf32, #tpu.memory_space<hbm>>, %arg5: memref<10000xf32, #tpu.memory_space<vmem>>, %arg6: memref<10240xi32, #tpu.memory_space<vmem>>, %arg7: memref<10240xf32, #tpu.memory_space<vmem>>, %arg8: memref<!tpu.dma_semaphore, #tpu.memory_space<semaphore_mem>>) attributes {dimension_semantics = [#tpu.dimension_semantics<core_parallel>, #tpu.dimension_semantics<subcore_parallel>], iteration_bounds = array<i64: 2, 16>, scalar_prefetch = 0 : i64, scratch_operands = 4 : i64, tpu.core_type = #tpu.core_type<sc_vector_subcore>, window_params = [{transform_indices = #map}, {transform_indices = #map}, {transform_indices = #map}]} {
    %mul3A = arith.constant 2 : i32
    %mul3A_0 = arith.muli %arg1, %mul3A : i32
    %add3A = arith.addi %mul3A_0, %arg0 : i32
    %dma_start3A = arith.constant 0 : i32
    %dma_start3A_1 = tpu.memref_slice %arg2[%add3A, %dma_start3A] : memref<32x10240xi32, #tpu.memory_space<hbm>> -> memref<1x10240xi32, #tpu.memory_space<hbm>>
    %dma_start3A_2 = tpu.memref_squeeze %dma_start3A_1 : memref<1x10240xi32, #tpu.memory_space<hbm>> -> memref<10240xi32, #tpu.memory_space<hbm>>
    %dma_start3A_3 = arith.constant 0 : i32
    %dma_start3A_4 = tpu.memref_slice %arg2[%add3A, %dma_start3A_3] : memref<32x10240xi32, #tpu.memory_space<hbm>> -> memref<1x10240xi32, #tpu.memory_space<hbm>>
    %dma_start3A_5 = tpu.memref_squeeze %dma_start3A_4 : memref<1x10240xi32, #tpu.memory_space<hbm>> -> memref<10240xi32, #tpu.memory_space<hbm>>
    tpu.enqueue_dma source(%dma_start3A_5 : memref<10240xi32, #tpu.memory_space<hbm>>) target(%arg6 : memref<10240xi32, #tpu.memory_space<vmem>>) target_semaphore(%arg8 : memref<!tpu.dma_semaphore, #tpu.memory_space<semaphore_mem>>)
    %dma_start3A_6 = arith.constant 0 : i32
    %dma_start3A_7 = tpu.memref_slice %arg3[%add3A, %dma_start3A_6] : memref<32x10240xf32, #tpu.memory_space<hbm>> -> memref<1x10240xf32, #tpu.memory_space<hbm>>
    %dma_start3A_8 = tpu.memref_squeeze %dma_start3A_7 : memref<1x10240xf32, #tpu.memory_space<hbm>> -> memref<10240xf32, #tpu.memory_space<hbm>>
    %dma_start3A_9 = arith.constant 0 : i32
    %dma_start3A_10 = tpu.memref_slice %arg3[%add3A, %dma_start3A_9] : memref<32x10240xf32, #tpu.memory_space<hbm>> -> memref<1x10240xf32, #tpu.memory_space<hbm>>
    %dma_start3A_11 = tpu.memref_squeeze %dma_start3A_10 : memref<1x10240xf32, #tpu.memory_space<hbm>> -> memref<10240xf32, #tpu.memory_space<hbm>>
    tpu.enqueue_dma source(%dma_start3A_11 : memref<10240xf32, #tpu.memory_space<hbm>>) target(%arg7 : memref<10240xf32, #tpu.memory_space<vmem>>) target_semaphore(%arg8 : memref<!tpu.dma_semaphore, #tpu.memory_space<semaphore_mem>>)
    %broadcast_in_dim3A = arith.constant 0.000000e+00 : f32
    %broadcast_in_dim3A_12 = vector.broadcast %broadcast_in_dim3A : f32 to vector<16xf32>
    %scan3A = arith.constant 0 : i32
    %scan3A_13 = arith.constant 625 : i32
    %scan3A_14 = arith.addi %scan3A, %scan3A_13 : i32
    %scan3A_15 = arith.constant 1 : i32
    scf.for %scan3A_45 = %scan3A to %scan3A_14 step %scan3A_15  : i32 {
      %mul3A_46 = arith.constant 16 : i32
      %mul3A_47 = arith.muli %scan3A_45, %mul3A_46 : i32
      %add3A_48 = arith.constant 0 : i32
      %add3A_49 = arith.addi %add3A_48, %mul3A_47 : i32
      %swap3A = arith.index_cast %add3A_49 : i32 to index
      %swap3A_50 = tpu.vector_load %arg5[%swap3A] {strides = array<i32>} : memref<10000xf32, #tpu.memory_space<vmem>>, vector<16xf32>,
      tpu.vector_store %arg5[%swap3A], %broadcast_in_dim3A_12 {strides = array<i32>} : memref<10000xf32, #tpu.memory_space<vmem>>, vector<16xf32>,
    }
    %scan3A_16 = arith.constant 625 : i32
    %dma_wait3A = arith.constant 0 : i32
    %dma_wait3A_17 = tpu.memref_slice %arg2[%add3A, %dma_wait3A] : memref<32x10240xi32, #tpu.memory_space<hbm>> -> memref<1x10240xi32, #tpu.memory_space<hbm>>
    %dma_wait3A_18 = tpu.memref_squeeze %dma_wait3A_17 : memref<1x10240xi32, #tpu.memory_space<hbm>> -> memref<10240xi32, #tpu.memory_space<hbm>>
    %dma_wait3A_19 = arith.constant 0 : i32
    %dma_wait3A_20 = tpu.memref_slice %arg2[%add3A, %dma_wait3A_19] : memref<32x10240xi32, #tpu.memory_space<hbm>> -> memref<1x10240xi32, #tpu.memory_space<hbm>>
    %dma_wait3A_21 = tpu.memref_squeeze %dma_wait3A_20 : memref<1x10240xi32, #tpu.memory_space<hbm>> -> memref<10240xi32, #tpu.memory_space<hbm>>
    tpu.wait_dma2 semaphore(%arg8 : memref<!tpu.dma_semaphore, #tpu.memory_space<semaphore_mem>>) src(%dma_wait3A_21 : memref<10240xi32, #tpu.memory_space<hbm>>) dst(%arg6 : memref<10240xi32, #tpu.memory_space<vmem>>)
    %dma_wait3A_22 = arith.constant 0 : i32
    %dma_wait3A_23 = tpu.memref_slice %arg3[%add3A, %dma_wait3A_22] : memref<32x10240xf32, #tpu.memory_space<hbm>> -> memref<1x10240xf32, #tpu.memory_space<hbm>>
    %dma_wait3A_24 = tpu.memref_squeeze %dma_wait3A_23 : memref<1x10240xf32, #tpu.memory_space<hbm>> -> memref<10240xf32, #tpu.memory_space<hbm>>
    %dma_wait3A_25 = arith.constant 0 : i32
    %dma_wait3A_26 = tpu.memref_slice %arg3[%add3A, %dma_wait3A_25] : memref<32x10240xf32, #tpu.memory_space<hbm>> -> memref<1x10240xf32, #tpu.memory_space<hbm>>
    %dma_wait3A_27 = tpu.memref_squeeze %dma_wait3A_26 : memref<1x10240xf32, #tpu.memory_space<hbm>> -> memref<10240xf32, #tpu.memory_space<hbm>>
    tpu.wait_dma2 semaphore(%arg8 : memref<!tpu.dma_semaphore, #tpu.memory_space<semaphore_mem>>) src(%dma_wait3A_27 : memref<10240xf32, #tpu.memory_space<hbm>>) dst(%arg7 : memref<10240xf32, #tpu.memory_space<vmem>>)
    %scan3A_28 = arith.constant 0 : i32
    %scan3A_29 = arith.constant 640 : i32
    %scan3A_30 = arith.addi %scan3A_28, %scan3A_29 : i32
    %scan3A_31 = arith.constant 1 : i32
    scf.for %scan3A_45 = %scan3A_28 to %scan3A_30 step %scan3A_31  : i32 {
      %mul3A_46 = arith.constant 16 : i32
      %mul3A_47 = arith.muli %scan3A_45, %mul3A_46 : i32
      %add3A_48 = arith.constant 0 : i32
      %add3A_49 = arith.addi %add3A_48, %mul3A_47 : i32
      %get3A = arith.index_cast %add3A_49 : i32 to index
      %get3A_50 = tpu.vector_load %arg6[%get3A] {strides = array<i32>} : memref<10240xi32, #tpu.memory_space<vmem>>, vector<16xi32>,
      %get3A_51 = arith.index_cast %add3A_49 : i32 to index
      %get3A_52 = tpu.vector_load %arg7[%get3A_51] {strides = array<i32>} : memref<10240xf32, #tpu.memory_space<vmem>>, vector<16xf32>,
      tpu.vector_store_idx %arg5[%get3A_50], %get3A_52 {add = true} : memref<10000xf32, #tpu.memory_space<vmem>>[vector<16xi32>], vector<16xf32>,
    }
    %scan3A_32 = arith.constant 640 : i32
    %dma_start3A_33 = arith.constant 0 : i32
    %dma_start3A_34 = tpu.memref_slice %arg4[%add3A, %dma_start3A_33] : memref<32x10000xf32, #tpu.memory_space<hbm>> -> memref<1x10000xf32, #tpu.memory_space<hbm>>
    %dma_start3A_35 = tpu.memref_squeeze %dma_start3A_34 : memref<1x10000xf32, #tpu.memory_space<hbm>> -> memref<10000xf32, #tpu.memory_space<hbm>>
    %dma_start3A_36 = arith.constant 0 : i32
    %dma_start3A_37 = tpu.memref_slice %arg4[%add3A, %dma_start3A_36] : memref<32x10000xf32, #tpu.memory_space<hbm>> -> memref<1x10000xf32, #tpu.memory_space<hbm>>
    %dma_start3A_38 = tpu.memref_squeeze %dma_start3A_37 : memref<1x10000xf32, #tpu.memory_space<hbm>> -> memref<10000xf32, #tpu.memory_space<hbm>>
    tpu.enqueue_dma source(%arg5 : memref<10000xf32, #tpu.memory_space<vmem>>) target(%dma_start3A_38 : memref<10000xf32, #tpu.memory_space<hbm>>) target_semaphore(%arg8 : memref<!tpu.dma_semaphore, #tpu.memory_space<semaphore_mem>>)
    %dma_wait3A_39 = arith.constant 0 : i32
    %dma_wait3A_40 = tpu.memref_slice %arg4[%add3A, %dma_wait3A_39] : memref<32x10000xf32, #tpu.memory_space<hbm>> -> memref<1x10000xf32, #tpu.memory_space<hbm>>
    %dma_wait3A_41 = tpu.memref_squeeze %dma_wait3A_40 : memref<1x10000xf32, #tpu.memory_space<hbm>> -> memref<10000xf32, #tpu.memory_space<hbm>>
    %dma_wait3A_42 = arith.constant 0 : i32
    %dma_wait3A_43 = tpu.memref_slice %arg4[%add3A, %dma_wait3A_42] : memref<32x10000xf32, #tpu.memory_space<hbm>> -> memref<1x10000xf32, #tpu.memory_space<hbm>>
    %dma_wait3A_44 = tpu.memref_squeeze %dma_wait3A_43 : memref<1x10000xf32, #tpu.memory_space<hbm>> -> memref<10000xf32, #tpu.memory_space<hbm>>
    tpu.wait_dma2 semaphore(%arg8 : memref<!tpu.dma_semaphore, #tpu.memory_space<semaphore_mem>>) src(%arg5 : memref<10000xf32, #tpu.memory_space<vmem>>) dst(%dma_wait3A_44 : memref<10000xf32, #tpu.memory_space<hbm>>)
    return
  }
}

#map = affine_map<(d0, d1) -> (0, 0)>
#map1 = affine_map<(d0, d1) -> (0, 0, 0)>
module attributes {stable_mosaic.version = 14 : i64} {
  func.func @body(%arg0: i32, %arg1: i32, %arg2: memref<64x10000xf32, #tpu.memory_space<hbm>>, %arg3: memref<80x4096xi32, #tpu.memory_space<hbm>>, %arg4: memref<80x4096xi32, #tpu.memory_space<hbm>>, %arg5: memref<80x4096xf32, #tpu.memory_space<hbm>>, %arg6: memref<32x4x10000xf32, #tpu.memory_space<hbm>>, %arg7: memref<4x10000xf32, #tpu.memory_space<vmem>>, %arg8: memref<4x10000xf32, #tpu.memory_space<vmem>>, %arg9: memref<4096xi32, #tpu.memory_space<vmem>>, %arg10: memref<4096xi32, #tpu.memory_space<vmem>>, %arg11: memref<4096xi32, #tpu.memory_space<vmem>>, %arg12: memref<4096xi32, #tpu.memory_space<vmem>>, %arg13: memref<4096xf32, #tpu.memory_space<vmem>>, %arg14: memref<4096xf32, #tpu.memory_space<vmem>>, %arg15: memref<!tpu.dma_semaphore, #tpu.memory_space<semaphore_mem>>, %arg16: memref<!tpu.dma_semaphore, #tpu.memory_space<semaphore_mem>>, %arg17: memref<!tpu.dma_semaphore, #tpu.memory_space<semaphore_mem>>) attributes {dimension_semantics = [#tpu.dimension_semantics<core_parallel>, #tpu.dimension_semantics<subcore_parallel>], iteration_bounds = array<i64: 2, 16>, scalar_prefetch = 0 : i64, scratch_operands = 11 : i64, tpu.core_type = #tpu.core_type<sc_vector_subcore>, window_params = [{transform_indices = #map}, {transform_indices = #map}, {transform_indices = #map}, {transform_indices = #map}, {transform_indices = #map1}]} {
    %mul3A = arith.constant 4 : i32
    %mul3A_0 = arith.muli %arg1, %mul3A : i32
    %dma_start3A = arith.constant 0 : i32
    %dma_start3A_1 = tpu.memref_slice %arg2[%mul3A_0, %dma_start3A] : memref<64x10000xf32, #tpu.memory_space<hbm>> -> memref<4x10000xf32, #tpu.memory_space<hbm>>
    %dma_start3A_2 = arith.constant 0 : i32
    %dma_start3A_3 = tpu.memref_slice %arg2[%mul3A_0, %dma_start3A_2] : memref<64x10000xf32, #tpu.memory_space<hbm>> -> memref<4x10000xf32, #tpu.memory_space<hbm>>
    tpu.enqueue_dma source(%dma_start3A_3 : memref<4x10000xf32, #tpu.memory_space<hbm>>) target(%arg7 : memref<4x10000xf32, #tpu.memory_space<vmem>>) target_semaphore(%arg15 : memref<!tpu.dma_semaphore, #tpu.memory_space<semaphore_mem>>)
    %mul3A_4 = arith.constant 40 : i32
    %mul3A_5 = arith.muli %arg0, %mul3A_4 : i32
    %add3A = arith.constant 0 : i32
    %add3A_6 = arith.addi %mul3A_5, %add3A : i32
    %dma_start3A_7 = arith.constant 0 : i32
    %dma_start3A_8 = tpu.memref_slice %arg3[%add3A_6, %dma_start3A_7] : memref<80x4096xi32, #tpu.memory_space<hbm>> -> memref<1x4096xi32, #tpu.memory_space<hbm>>
    %dma_start3A_9 = tpu.memref_squeeze %dma_start3A_8 : memref<1x4096xi32, #tpu.memory_space<hbm>> -> memref<4096xi32, #tpu.memory_space<hbm>>
    %dma_start3A_10 = arith.constant 0 : i32
    %dma_start3A_11 = tpu.memref_slice %arg3[%add3A_6, %dma_start3A_10] : memref<80x4096xi32, #tpu.memory_space<hbm>> -> memref<1x4096xi32, #tpu.memory_space<hbm>>
    %dma_start3A_12 = tpu.memref_squeeze %dma_start3A_11 : memref<1x4096xi32, #tpu.memory_space<hbm>> -> memref<4096xi32, #tpu.memory_space<hbm>>
    tpu.enqueue_dma source(%dma_start3A_12 : memref<4096xi32, #tpu.memory_space<hbm>>) target(%arg9 : memref<4096xi32, #tpu.memory_space<vmem>>) target_semaphore(%arg16 : memref<!tpu.dma_semaphore, #tpu.memory_space<semaphore_mem>>)
    %dma_start3A_13 = arith.constant 0 : i32
    %dma_start3A_14 = tpu.memref_slice %arg4[%add3A_6, %dma_start3A_13] : memref<80x4096xi32, #tpu.memory_space<hbm>> -> memref<1x4096xi32, #tpu.memory_space<hbm>>
    %dma_start3A_15 = tpu.memref_squeeze %dma_start3A_14 : memref<1x4096xi32, #tpu.memory_space<hbm>> -> memref<4096xi32, #tpu.memory_space<hbm>>
    %dma_start3A_16 = arith.constant 0 : i32
    %dma_start3A_17 = tpu.memref_slice %arg4[%add3A_6, %dma_start3A_16] : memref<80x4096xi32, #tpu.memory_space<hbm>> -> memref<1x4096xi32, #tpu.memory_space<hbm>>
    %dma_start3A_18 = tpu.memref_squeeze %dma_start3A_17 : memref<1x4096xi32, #tpu.memory_space<hbm>> -> memref<4096xi32, #tpu.memory_space<hbm>>
    tpu.enqueue_dma source(%dma_start3A_18 : memref<4096xi32, #tpu.memory_space<hbm>>) target(%arg11 : memref<4096xi32, #tpu.memory_space<vmem>>) target_semaphore(%arg16 : memref<!tpu.dma_semaphore, #tpu.memory_space<semaphore_mem>>)
    %dma_start3A_19 = arith.constant 0 : i32
    %dma_start3A_20 = tpu.memref_slice %arg5[%add3A_6, %dma_start3A_19] : memref<80x4096xf32, #tpu.memory_space<hbm>> -> memref<1x4096xf32, #tpu.memory_space<hbm>>
    %dma_start3A_21 = tpu.memref_squeeze %dma_start3A_20 : memref<1x4096xf32, #tpu.memory_space<hbm>> -> memref<4096xf32, #tpu.memory_space<hbm>>
    %dma_start3A_22 = arith.constant 0 : i32
    %dma_start3A_23 = tpu.memref_slice %arg5[%add3A_6, %dma_start3A_22] : memref<80x4096xf32, #tpu.memory_space<hbm>> -> memref<1x4096xf32, #tpu.memory_space<hbm>>
    %dma_start3A_24 = tpu.memref_squeeze %dma_start3A_23 : memref<1x4096xf32, #tpu.memory_space<hbm>> -> memref<4096xf32, #tpu.memory_space<hbm>>
    tpu.enqueue_dma source(%dma_start3A_24 : memref<4096xf32, #tpu.memory_space<hbm>>) target(%arg13 : memref<4096xf32, #tpu.memory_space<vmem>>) target_semaphore(%arg16 : memref<!tpu.dma_semaphore, #tpu.memory_space<semaphore_mem>>)
    %mul3A_25 = arith.constant 40 : i32
    %mul3A_26 = arith.muli %arg0, %mul3A_25 : i32
    %add3A_27 = arith.constant 1 : i32
    %add3A_28 = arith.addi %mul3A_26, %add3A_27 : i32
    %dma_start3A_29 = arith.constant 0 : i32
    %dma_start3A_30 = tpu.memref_slice %arg3[%add3A_28, %dma_start3A_29] : memref<80x4096xi32, #tpu.memory_space<hbm>> -> memref<1x4096xi32, #tpu.memory_space<hbm>>
    %dma_start3A_31 = tpu.memref_squeeze %dma_start3A_30 : memref<1x4096xi32, #tpu.memory_space<hbm>> -> memref<4096xi32, #tpu.memory_space<hbm>>
    %dma_start3A_32 = arith.constant 0 : i32
    %dma_start3A_33 = tpu.memref_slice %arg3[%add3A_28, %dma_start3A_32] : memref<80x4096xi32, #tpu.memory_space<hbm>> -> memref<1x4096xi32, #tpu.memory_space<hbm>>
    %dma_start3A_34 = tpu.memref_squeeze %dma_start3A_33 : memref<1x4096xi32, #tpu.memory_space<hbm>> -> memref<4096xi32, #tpu.memory_space<hbm>>
    tpu.enqueue_dma source(%dma_start3A_34 : memref<4096xi32, #tpu.memory_space<hbm>>) target(%arg10 : memref<4096xi32, #tpu.memory_space<vmem>>) target_semaphore(%arg17 : memref<!tpu.dma_semaphore, #tpu.memory_space<semaphore_mem>>)
    %dma_start3A_35 = arith.constant 0 : i32
    %dma_start3A_36 = tpu.memref_slice %arg4[%add3A_28, %dma_start3A_35] : memref<80x4096xi32, #tpu.memory_space<hbm>> -> memref<1x4096xi32, #tpu.memory_space<hbm>>
    %dma_start3A_37 = tpu.memref_squeeze %dma_start3A_36 : memref<1x4096xi32, #tpu.memory_space<hbm>> -> memref<4096xi32, #tpu.memory_space<hbm>>
    %dma_start3A_38 = arith.constant 0 : i32
    %dma_start3A_39 = tpu.memref_slice %arg4[%add3A_28, %dma_start3A_38] : memref<80x4096xi32, #tpu.memory_space<hbm>> -> memref<1x4096xi32, #tpu.memory_space<hbm>>
    %dma_start3A_40 = tpu.memref_squeeze %dma_start3A_39 : memref<1x4096xi32, #tpu.memory_space<hbm>> -> memref<4096xi32, #tpu.memory_space<hbm>>
    tpu.enqueue_dma source(%dma_start3A_40 : memref<4096xi32, #tpu.memory_space<hbm>>) target(%arg12 : memref<4096xi32, #tpu.memory_space<vmem>>) target_semaphore(%arg17 : memref<!tpu.dma_semaphore, #tpu.memory_space<semaphore_mem>>)
    %dma_start3A_41 = arith.constant 0 : i32
    %dma_start3A_42 = tpu.memref_slice %arg5[%add3A_28, %dma_start3A_41] : memref<80x4096xf32, #tpu.memory_space<hbm>> -> memref<1x4096xf32, #tpu.memory_space<hbm>>
    %dma_start3A_43 = tpu.memref_squeeze %dma_start3A_42 : memref<1x4096xf32, #tpu.memory_space<hbm>> -> memref<4096xf32, #tpu.memory_space<hbm>>
    %dma_start3A_44 = arith.constant 0 : i32
    %dma_start3A_45 = tpu.memref_slice %arg5[%add3A_28, %dma_start3A_44] : memref<80x4096xf32, #tpu.memory_space<hbm>> -> memref<1x4096xf32, #tpu.memory_space<hbm>>
    %dma_start3A_46 = tpu.memref_squeeze %dma_start3A_45 : memref<1x4096xf32, #tpu.memory_space<hbm>> -> memref<4096xf32, #tpu.memory_space<hbm>>
    tpu.enqueue_dma source(%dma_start3A_46 : memref<4096xf32, #tpu.memory_space<hbm>>) target(%arg14 : memref<4096xf32, #tpu.memory_space<vmem>>) target_semaphore(%arg17 : memref<!tpu.dma_semaphore, #tpu.memory_space<semaphore_mem>>)
    %broadcast_in_dim3A = arith.constant 0.000000e+00 : f32
    %broadcast_in_dim3A_47 = vector.broadcast %broadcast_in_dim3A : f32 to vector<16xf32>
    %scan3A = arith.constant 0 : i32
    %scan3A_48 = arith.constant 625 : i32
    %scan3A_49 = arith.addi %scan3A, %scan3A_48 : i32
    %scan3A_50 = arith.constant 1 : i32
    scf.for %scan3A_79 = %scan3A to %scan3A_49 step %scan3A_50  : i32 {
      %mul3A_80 = arith.constant 16 : i32
      %mul3A_81 = arith.muli %scan3A_79, %mul3A_80 : i32
      %add3A_82 = arith.constant 0 : i32
      %add3A_83 = arith.addi %add3A_82, %mul3A_81 : i32
      %swap3A = arith.constant 0 : i32
      %swap3A_84 = arith.index_cast %swap3A : i32 to index
      %swap3A_85 = arith.index_cast %add3A_83 : i32 to index
      %swap3A_86 = tpu.vector_load %arg8[%swap3A_84, %swap3A_85] {strides = array<i32>} : memref<4x10000xf32, #tpu.memory_space<vmem>>, vector<16xf32>,
      tpu.vector_store %arg8[%swap3A_84, %swap3A_85], %broadcast_in_dim3A_47 {strides = array<i32>} : memref<4x10000xf32, #tpu.memory_space<vmem>>, vector<16xf32>,
      %swap3A_87 = arith.constant 1 : i32
      %swap3A_88 = arith.index_cast %swap3A_87 : i32 to index
      %swap3A_89 = arith.index_cast %add3A_83 : i32 to index
      %swap3A_90 = tpu.vector_load %arg8[%swap3A_88, %swap3A_89] {strides = array<i32>} : memref<4x10000xf32, #tpu.memory_space<vmem>>, vector<16xf32>,
      tpu.vector_store %arg8[%swap3A_88, %swap3A_89], %broadcast_in_dim3A_47 {strides = array<i32>} : memref<4x10000xf32, #tpu.memory_space<vmem>>, vector<16xf32>,
      %swap3A_91 = arith.constant 2 : i32
      %swap3A_92 = arith.index_cast %swap3A_91 : i32 to index
      %swap3A_93 = arith.index_cast %add3A_83 : i32 to index
      %swap3A_94 = tpu.vector_load %arg8[%swap3A_92, %swap3A_93] {strides = array<i32>} : memref<4x10000xf32, #tpu.memory_space<vmem>>, vector<16xf32>,
      tpu.vector_store %arg8[%swap3A_92, %swap3A_93], %broadcast_in_dim3A_47 {strides = array<i32>} : memref<4x10000xf32, #tpu.memory_space<vmem>>, vector<16xf32>,
      %swap3A_95 = arith.constant 3 : i32
      %swap3A_96 = arith.index_cast %swap3A_95 : i32 to index
      %swap3A_97 = arith.index_cast %add3A_83 : i32 to index
      %swap3A_98 = tpu.vector_load %arg8[%swap3A_96, %swap3A_97] {strides = array<i32>} : memref<4x10000xf32, #tpu.memory_space<vmem>>, vector<16xf32>,
      tpu.vector_store %arg8[%swap3A_96, %swap3A_97], %broadcast_in_dim3A_47 {strides = array<i32>} : memref<4x10000xf32, #tpu.memory_space<vmem>>, vector<16xf32>,
    }
    %scan3A_51 = arith.constant 625 : i32
    %dma_wait3A = arith.constant 0 : i32
    %dma_wait3A_52 = tpu.memref_slice %arg2[%mul3A_0, %dma_wait3A] : memref<64x10000xf32, #tpu.memory_space<hbm>> -> memref<4x10000xf32, #tpu.memory_space<hbm>>
    %dma_wait3A_53 = arith.constant 0 : i32
    %dma_wait3A_54 = tpu.memref_slice %arg2[%mul3A_0, %dma_wait3A_53] : memref<64x10000xf32, #tpu.memory_space<hbm>> -> memref<4x10000xf32, #tpu.memory_space<hbm>>
    tpu.wait_dma2 semaphore(%arg15 : memref<!tpu.dma_semaphore, #tpu.memory_space<semaphore_mem>>) src(%dma_wait3A_54 : memref<4x10000xf32, #tpu.memory_space<hbm>>) dst(%arg7 : memref<4x10000xf32, #tpu.memory_space<vmem>>)
    %scan3A_55 = arith.constant 0 : i32
    %scan3A_56 = arith.constant 20 : i32
    %scan3A_57 = arith.addi %scan3A_55, %scan3A_56 : i32
    %scan3A_58 = arith.constant 1 : i32
    scf.for %scan3A_79 = %scan3A_55 to %scan3A_57 step %scan3A_58  : i32 {
      %mul3A_80 = arith.constant 2 : i32
      %mul3A_81 = arith.muli %scan3A_79, %mul3A_80 : i32
      %add3A_82 = arith.constant 0 : i32
      %add3A_83 = arith.addi %add3A_82, %mul3A_81 : i32
      %add3A_84 = arith.constant 0 : i32
      %add3A_85 = arith.addi %add3A_83, %add3A_84 : i32
      %mul3A_86 = arith.constant 40 : i32
      %mul3A_87 = arith.muli %arg0, %mul3A_86 : i32
      %add3A_88 = arith.addi %mul3A_87, %add3A_85 : i32
      %dma_wait3A_89 = arith.constant 0 : i32
      %dma_wait3A_90 = tpu.memref_slice %arg3[%add3A_88, %dma_wait3A_89] : memref<80x4096xi32, #tpu.memory_space<hbm>> -> memref<1x4096xi32, #tpu.memory_space<hbm>>
      %dma_wait3A_91 = tpu.memref_squeeze %dma_wait3A_90 : memref<1x4096xi32, #tpu.memory_space<hbm>> -> memref<4096xi32, #tpu.memory_space<hbm>>
      %dma_wait3A_92 = arith.constant 0 : i32
      %dma_wait3A_93 = tpu.memref_slice %arg3[%add3A_88, %dma_wait3A_92] : memref<80x4096xi32, #tpu.memory_space<hbm>> -> memref<1x4096xi32, #tpu.memory_space<hbm>>
      %dma_wait3A_94 = tpu.memref_squeeze %dma_wait3A_93 : memref<1x4096xi32, #tpu.memory_space<hbm>> -> memref<4096xi32, #tpu.memory_space<hbm>>
      tpu.wait_dma2 semaphore(%arg16 : memref<!tpu.dma_semaphore, #tpu.memory_space<semaphore_mem>>) src(%dma_wait3A_94 : memref<4096xi32, #tpu.memory_space<hbm>>) dst(%arg9 : memref<4096xi32, #tpu.memory_space<vmem>>)
      %dma_wait3A_95 = arith.constant 0 : i32
      %dma_wait3A_96 = tpu.memref_slice %arg4[%add3A_88, %dma_wait3A_95] : memref<80x4096xi32, #tpu.memory_space<hbm>> -> memref<1x4096xi32, #tpu.memory_space<hbm>>
      %dma_wait3A_97 = tpu.memref_squeeze %dma_wait3A_96 : memref<1x4096xi32, #tpu.memory_space<hbm>> -> memref<4096xi32, #tpu.memory_space<hbm>>
      %dma_wait3A_98 = arith.constant 0 : i32
      %dma_wait3A_99 = tpu.memref_slice %arg4[%add3A_88, %dma_wait3A_98] : memref<80x4096xi32, #tpu.memory_space<hbm>> -> memref<1x4096xi32, #tpu.memory_space<hbm>>
      %dma_wait3A_100 = tpu.memref_squeeze %dma_wait3A_99 : memref<1x4096xi32, #tpu.memory_space<hbm>> -> memref<4096xi32, #tpu.memory_space<hbm>>
      tpu.wait_dma2 semaphore(%arg16 : memref<!tpu.dma_semaphore, #tpu.memory_space<semaphore_mem>>) src(%dma_wait3A_100 : memref<4096xi32, #tpu.memory_space<hbm>>) dst(%arg11 : memref<4096xi32, #tpu.memory_space<vmem>>)
      %dma_wait3A_101 = arith.constant 0 : i32
      %dma_wait3A_102 = tpu.memref_slice %arg5[%add3A_88, %dma_wait3A_101] : memref<80x4096xf32, #tpu.memory_space<hbm>> -> memref<1x4096xf32, #tpu.memory_space<hbm>>
      %dma_wait3A_103 = tpu.memref_squeeze %dma_wait3A_102 : memref<1x4096xf32, #tpu.memory_space<hbm>> -> memref<4096xf32, #tpu.memory_space<hbm>>
      %dma_wait3A_104 = arith.constant 0 : i32
      %dma_wait3A_105 = tpu.memref_slice %arg5[%add3A_88, %dma_wait3A_104] : memref<80x4096xf32, #tpu.memory_space<hbm>> -> memref<1x4096xf32, #tpu.memory_space<hbm>>
      %dma_wait3A_106 = tpu.memref_squeeze %dma_wait3A_105 : memref<1x4096xf32, #tpu.memory_space<hbm>> -> memref<4096xf32, #tpu.memory_space<hbm>>
      tpu.wait_dma2 semaphore(%arg16 : memref<!tpu.dma_semaphore, #tpu.memory_space<semaphore_mem>>) src(%dma_wait3A_106 : memref<4096xf32, #tpu.memory_space<hbm>>) dst(%arg13 : memref<4096xf32, #tpu.memory_space<vmem>>)
      %parallel_loop3A = arith.constant 0 : i32
      %parallel_loop3A_107 = arith.constant 4096 : i32
      %parallel_loop3A_108 = arith.constant 16 : i32
      scf.for %parallel_loop3A_146 = %parallel_loop3A to %parallel_loop3A_107 step %parallel_loop3A_108  : i32 {
        %parallel_loop3A_147 = arith.index_cast %parallel_loop3A_146 : i32 to index
        %parallel_loop3A_148 = tpu.vector_load %arg9[%parallel_loop3A_147] {strides = array<i32>} : memref<4096xi32, #tpu.memory_space<vmem>>, vector<16xi32>,
        %parallel_loop3A_149 = arith.index_cast %parallel_loop3A_146 : i32 to index
        %parallel_loop3A_150 = tpu.vector_load %arg11[%parallel_loop3A_149] {strides = array<i32>} : memref<4096xi32, #tpu.memory_space<vmem>>, vector<16xi32>,
        %parallel_loop3A_151 = arith.index_cast %parallel_loop3A_146 : i32 to index
        %parallel_loop3A_152 = tpu.vector_load %arg13[%parallel_loop3A_151] {strides = array<i32>} : memref<4096xf32, #tpu.memory_space<vmem>>, vector<16xf32>,
        %parallel_loop3A_153 = arith.constant 0 : i32
        %parallel_loop3A_154 = vector.broadcast %parallel_loop3A_153 : i32 to vector<16xi32>
        %parallel_loop3A_155 = tpu.vector_load_idx %arg7[%parallel_loop3A_154, %parallel_loop3A_148] : memref<4x10000xf32, #tpu.memory_space<vmem>>[vector<16xi32>, vector<16xi32>], vector<16xf32>,
        %parallel_loop3A_156 = arith.mulf %parallel_loop3A_155, %parallel_loop3A_152 : vector<16xf32>
        tpu.vector_store_idx %arg8[%parallel_loop3A_154, %parallel_loop3A_150], %parallel_loop3A_156 {add = true} : memref<4x10000xf32, #tpu.memory_space<vmem>>[vector<16xi32>, vector<16xi32>], vector<16xf32>,
        %parallel_loop3A_157 = arith.constant 1 : i32
        %parallel_loop3A_158 = vector.broadcast %parallel_loop3A_157 : i32 to vector<16xi32>
        %parallel_loop3A_159 = tpu.vector_load_idx %arg7[%parallel_loop3A_158, %parallel_loop3A_148] : memref<4x10000xf32, #tpu.memory_space<vmem>>[vector<16xi32>, vector<16xi32>], vector<16xf32>,
        %parallel_loop3A_160 = arith.mulf %parallel_loop3A_159, %parallel_loop3A_152 : vector<16xf32>
        tpu.vector_store_idx %arg8[%parallel_loop3A_158, %parallel_loop3A_150], %parallel_loop3A_160 {add = true} : memref<4x10000xf32, #tpu.memory_space<vmem>>[vector<16xi32>, vector<16xi32>], vector<16xf32>,
        %parallel_loop3A_161 = arith.constant 2 : i32
        %parallel_loop3A_162 = vector.broadcast %parallel_loop3A_161 : i32 to vector<16xi32>
        %parallel_loop3A_163 = tpu.vector_load_idx %arg7[%parallel_loop3A_162, %parallel_loop3A_148] : memref<4x10000xf32, #tpu.memory_space<vmem>>[vector<16xi32>, vector<16xi32>], vector<16xf32>,
        %parallel_loop3A_164 = arith.mulf %parallel_loop3A_163, %parallel_loop3A_152 : vector<16xf32>
        tpu.vector_store_idx %arg8[%parallel_loop3A_162, %parallel_loop3A_150], %parallel_loop3A_164 {add = true} : memref<4x10000xf32, #tpu.memory_space<vmem>>[vector<16xi32>, vector<16xi32>], vector<16xf32>,
        %parallel_loop3A_165 = arith.constant 3 : i32
        %parallel_loop3A_166 = vector.broadcast %parallel_loop3A_165 : i32 to vector<16xi32>
        %parallel_loop3A_167 = tpu.vector_load_idx %arg7[%parallel_loop3A_166, %parallel_loop3A_148] : memref<4x10000xf32, #tpu.memory_space<vmem>>[vector<16xi32>, vector<16xi32>], vector<16xf32>,
        %parallel_loop3A_168 = arith.mulf %parallel_loop3A_167, %parallel_loop3A_152 : vector<16xf32>
        tpu.vector_store_idx %arg8[%parallel_loop3A_166, %parallel_loop3A_150], %parallel_loop3A_168 {add = true} : memref<4x10000xf32, #tpu.memory_space<vmem>>[vector<16xi32>, vector<16xi32>], vector<16xf32>,
      } {sc.loop_unroll_factor = 4 : i64, sc.parallel_access}
      %add3A_109 = arith.constant 2 : i32
      %add3A_110 = arith.addi %add3A_85, %add3A_109 : i32
      %lt3A = arith.constant 40 : i32
      %lt3A_111 = arith.cmpi slt, %add3A_110, %lt3A : i32
      %convert_element_type3A = arith.extui %lt3A_111 : i1 to i32
      %cond3A = arith.constant 0 : i32
      %cond3A_112 = arith.cmpi ne, %convert_element_type3A, %cond3A : i32
      scf.if %cond3A_112 {
        %mul3A_146 = arith.constant 40 : i32
        %mul3A_147 = arith.muli %arg0, %mul3A_146 : i32
        %add3A_148 = arith.addi %mul3A_147, %add3A_85 : i32
        %add3A_149 = arith.constant 2 : i32
        %add3A_150 = arith.addi %add3A_148, %add3A_149 : i32
        %dma_start3A_151 = arith.constant 0 : i32
        %dma_start3A_152 = tpu.memref_slice %arg3[%add3A_150, %dma_start3A_151] : memref<80x4096xi32, #tpu.memory_space<hbm>> -> memref<1x4096xi32, #tpu.memory_space<hbm>>
        %dma_start3A_153 = tpu.memref_squeeze %dma_start3A_152 : memref<1x4096xi32, #tpu.memory_space<hbm>> -> memref<4096xi32, #tpu.memory_space<hbm>>
        %dma_start3A_154 = arith.constant 0 : i32
        %dma_start3A_155 = tpu.memref_slice %arg3[%add3A_150, %dma_start3A_154] : memref<80x4096xi32, #tpu.memory_space<hbm>> -> memref<1x4096xi32, #tpu.memory_space<hbm>>
        %dma_start3A_156 = tpu.memref_squeeze %dma_start3A_155 : memref<1x4096xi32, #tpu.memory_space<hbm>> -> memref<4096xi32, #tpu.memory_space<hbm>>
        tpu.enqueue_dma source(%dma_start3A_156 : memref<4096xi32, #tpu.memory_space<hbm>>) target(%arg9 : memref<4096xi32, #tpu.memory_space<vmem>>) target_semaphore(%arg16 : memref<!tpu.dma_semaphore, #tpu.memory_space<semaphore_mem>>)
        %dma_start3A_157 = arith.constant 0 : i32
        %dma_start3A_158 = tpu.memref_slice %arg4[%add3A_150, %dma_start3A_157] : memref<80x4096xi32, #tpu.memory_space<hbm>> -> memref<1x4096xi32, #tpu.memory_space<hbm>>
        %dma_start3A_159 = tpu.memref_squeeze %dma_start3A_158 : memref<1x4096xi32, #tpu.memory_space<hbm>> -> memref<4096xi32, #tpu.memory_space<hbm>>
        %dma_start3A_160 = arith.constant 0 : i32
        %dma_start3A_161 = tpu.memref_slice %arg4[%add3A_150, %dma_start3A_160] : memref<80x4096xi32, #tpu.memory_space<hbm>> -> memref<1x4096xi32, #tpu.memory_space<hbm>>
        %dma_start3A_162 = tpu.memref_squeeze %dma_start3A_161 : memref<1x4096xi32, #tpu.memory_space<hbm>> -> memref<4096xi32, #tpu.memory_space<hbm>>
        tpu.enqueue_dma source(%dma_start3A_162 : memref<4096xi32, #tpu.memory_space<hbm>>) target(%arg11 : memref<4096xi32, #tpu.memory_space<vmem>>) target_semaphore(%arg16 : memref<!tpu.dma_semaphore, #tpu.memory_space<semaphore_mem>>)
        %dma_start3A_163 = arith.constant 0 : i32
        %dma_start3A_164 = tpu.memref_slice %arg5[%add3A_150, %dma_start3A_163] : memref<80x4096xf32, #tpu.memory_space<hbm>> -> memref<1x4096xf32, #tpu.memory_space<hbm>>
        %dma_start3A_165 = tpu.memref_squeeze %dma_start3A_164 : memref<1x4096xf32, #tpu.memory_space<hbm>> -> memref<4096xf32, #tpu.memory_space<hbm>>
        %dma_start3A_166 = arith.constant 0 : i32
        %dma_start3A_167 = tpu.memref_slice %arg5[%add3A_150, %dma_start3A_166] : memref<80x4096xf32, #tpu.memory_space<hbm>> -> memref<1x4096xf32, #tpu.memory_space<hbm>>
        %dma_start3A_168 = tpu.memref_squeeze %dma_start3A_167 : memref<1x4096xf32, #tpu.memory_space<hbm>> -> memref<4096xf32, #tpu.memory_space<hbm>>
        tpu.enqueue_dma source(%dma_start3A_168 : memref<4096xf32, #tpu.memory_space<hbm>>) target(%arg13 : memref<4096xf32, #tpu.memory_space<vmem>>) target_semaphore(%arg16 : memref<!tpu.dma_semaphore, #tpu.memory_space<semaphore_mem>>)
      } else {
      }
      %add3A_113 = arith.constant 1 : i32
      %add3A_114 = arith.addi %add3A_83, %add3A_113 : i32
      %mul3A_115 = arith.constant 40 : i32
      %mul3A_116 = arith.muli %arg0, %mul3A_115 : i32
      %add3A_117 = arith.addi %mul3A_116, %add3A_114 : i32
      %dma_wait3A_118 = arith.constant 0 : i32
      %dma_wait3A_119 = tpu.memref_slice %arg3[%add3A_117, %dma_wait3A_118] : memref<80x4096xi32, #tpu.memory_space<hbm>> -> memref<1x4096xi32, #tpu.memory_space<hbm>>
      %dma_wait3A_120 = tpu.memref_squeeze %dma_wait3A_119 : memref<1x4096xi32, #tpu.memory_space<hbm>> -> memref<4096xi32, #tpu.memory_space<hbm>>
      %dma_wait3A_121 = arith.constant 0 : i32
      %dma_wait3A_122 = tpu.memref_slice %arg3[%add3A_117, %dma_wait3A_121] : memref<80x4096xi32, #tpu.memory_space<hbm>> -> memref<1x4096xi32, #tpu.memory_space<hbm>>
      %dma_wait3A_123 = tpu.memref_squeeze %dma_wait3A_122 : memref<1x4096xi32, #tpu.memory_space<hbm>> -> memref<4096xi32, #tpu.memory_space<hbm>>
      tpu.wait_dma2 semaphore(%arg17 : memref<!tpu.dma_semaphore, #tpu.memory_space<semaphore_mem>>) src(%dma_wait3A_123 : memref<4096xi32, #tpu.memory_space<hbm>>) dst(%arg10 : memref<4096xi32, #tpu.memory_space<vmem>>)
      %dma_wait3A_124 = arith.constant 0 : i32
      %dma_wait3A_125 = tpu.memref_slice %arg4[%add3A_117, %dma_wait3A_124] : memref<80x4096xi32, #tpu.memory_space<hbm>> -> memref<1x4096xi32, #tpu.memory_space<hbm>>
      %dma_wait3A_126 = tpu.memref_squeeze %dma_wait3A_125 : memref<1x4096xi32, #tpu.memory_space<hbm>> -> memref<4096xi32, #tpu.memory_space<hbm>>
      %dma_wait3A_127 = arith.constant 0 : i32
      %dma_wait3A_128 = tpu.memref_slice %arg4[%add3A_117, %dma_wait3A_127] : memref<80x4096xi32, #tpu.memory_space<hbm>> -> memref<1x4096xi32, #tpu.memory_space<hbm>>
      %dma_wait3A_129 = tpu.memref_squeeze %dma_wait3A_128 : memref<1x4096xi32, #tpu.memory_space<hbm>> -> memref<4096xi32, #tpu.memory_space<hbm>>
      tpu.wait_dma2 semaphore(%arg17 : memref<!tpu.dma_semaphore, #tpu.memory_space<semaphore_mem>>) src(%dma_wait3A_129 : memref<4096xi32, #tpu.memory_space<hbm>>) dst(%arg12 : memref<4096xi32, #tpu.memory_space<vmem>>)
      %dma_wait3A_130 = arith.constant 0 : i32
      %dma_wait3A_131 = tpu.memref_slice %arg5[%add3A_117, %dma_wait3A_130] : memref<80x4096xf32, #tpu.memory_space<hbm>> -> memref<1x4096xf32, #tpu.memory_space<hbm>>
      %dma_wait3A_132 = tpu.memref_squeeze %dma_wait3A_131 : memref<1x4096xf32, #tpu.memory_space<hbm>> -> memref<4096xf32, #tpu.memory_space<hbm>>
      %dma_wait3A_133 = arith.constant 0 : i32
      %dma_wait3A_134 = tpu.memref_slice %arg5[%add3A_117, %dma_wait3A_133] : memref<80x4096xf32, #tpu.memory_space<hbm>> -> memref<1x4096xf32, #tpu.memory_space<hbm>>
      %dma_wait3A_135 = tpu.memref_squeeze %dma_wait3A_134 : memref<1x4096xf32, #tpu.memory_space<hbm>> -> memref<4096xf32, #tpu.memory_space<hbm>>
      tpu.wait_dma2 semaphore(%arg17 : memref<!tpu.dma_semaphore, #tpu.memory_space<semaphore_mem>>) src(%dma_wait3A_135 : memref<4096xf32, #tpu.memory_space<hbm>>) dst(%arg14 : memref<4096xf32, #tpu.memory_space<vmem>>)
      %parallel_loop3A_136 = arith.constant 0 : i32
      %parallel_loop3A_137 = arith.constant 4096 : i32
      %parallel_loop3A_138 = arith.constant 16 : i32
      scf.for %parallel_loop3A_146 = %parallel_loop3A_136 to %parallel_loop3A_137 step %parallel_loop3A_138  : i32 {
        %parallel_loop3A_147 = arith.index_cast %parallel_loop3A_146 : i32 to index
        %parallel_loop3A_148 = tpu.vector_load %arg10[%parallel_loop3A_147] {strides = array<i32>} : memref<4096xi32, #tpu.memory_space<vmem>>, vector<16xi32>,
        %parallel_loop3A_149 = arith.index_cast %parallel_loop3A_146 : i32 to index
        %parallel_loop3A_150 = tpu.vector_load %arg12[%parallel_loop3A_149] {strides = array<i32>} : memref<4096xi32, #tpu.memory_space<vmem>>, vector<16xi32>,
        %parallel_loop3A_151 = arith.index_cast %parallel_loop3A_146 : i32 to index
        %parallel_loop3A_152 = tpu.vector_load %arg14[%parallel_loop3A_151] {strides = array<i32>} : memref<4096xf32, #tpu.memory_space<vmem>>, vector<16xf32>,
        %parallel_loop3A_153 = arith.constant 0 : i32
        %parallel_loop3A_154 = vector.broadcast %parallel_loop3A_153 : i32 to vector<16xi32>
        %parallel_loop3A_155 = tpu.vector_load_idx %arg7[%parallel_loop3A_154, %parallel_loop3A_148] : memref<4x10000xf32, #tpu.memory_space<vmem>>[vector<16xi32>, vector<16xi32>], vector<16xf32>,
        %parallel_loop3A_156 = arith.mulf %parallel_loop3A_155, %parallel_loop3A_152 : vector<16xf32>
        tpu.vector_store_idx %arg8[%parallel_loop3A_154, %parallel_loop3A_150], %parallel_loop3A_156 {add = true} : memref<4x10000xf32, #tpu.memory_space<vmem>>[vector<16xi32>, vector<16xi32>], vector<16xf32>,
        %parallel_loop3A_157 = arith.constant 1 : i32
        %parallel_loop3A_158 = vector.broadcast %parallel_loop3A_157 : i32 to vector<16xi32>
        %parallel_loop3A_159 = tpu.vector_load_idx %arg7[%parallel_loop3A_158, %parallel_loop3A_148] : memref<4x10000xf32, #tpu.memory_space<vmem>>[vector<16xi32>, vector<16xi32>], vector<16xf32>,
        %parallel_loop3A_160 = arith.mulf %parallel_loop3A_159, %parallel_loop3A_152 : vector<16xf32>
        tpu.vector_store_idx %arg8[%parallel_loop3A_158, %parallel_loop3A_150], %parallel_loop3A_160 {add = true} : memref<4x10000xf32, #tpu.memory_space<vmem>>[vector<16xi32>, vector<16xi32>], vector<16xf32>,
        %parallel_loop3A_161 = arith.constant 2 : i32
        %parallel_loop3A_162 = vector.broadcast %parallel_loop3A_161 : i32 to vector<16xi32>
        %parallel_loop3A_163 = tpu.vector_load_idx %arg7[%parallel_loop3A_162, %parallel_loop3A_148] : memref<4x10000xf32, #tpu.memory_space<vmem>>[vector<16xi32>, vector<16xi32>], vector<16xf32>,
        %parallel_loop3A_164 = arith.mulf %parallel_loop3A_163, %parallel_loop3A_152 : vector<16xf32>
        tpu.vector_store_idx %arg8[%parallel_loop3A_162, %parallel_loop3A_150], %parallel_loop3A_164 {add = true} : memref<4x10000xf32, #tpu.memory_space<vmem>>[vector<16xi32>, vector<16xi32>], vector<16xf32>,
        %parallel_loop3A_165 = arith.constant 3 : i32
        %parallel_loop3A_166 = vector.broadcast %parallel_loop3A_165 : i32 to vector<16xi32>
        %parallel_loop3A_167 = tpu.vector_load_idx %arg7[%parallel_loop3A_166, %parallel_loop3A_148] : memref<4x10000xf32, #tpu.memory_space<vmem>>[vector<16xi32>, vector<16xi32>], vector<16xf32>,
        %parallel_loop3A_168 = arith.mulf %parallel_loop3A_167, %parallel_loop3A_152 : vector<16xf32>
        tpu.vector_store_idx %arg8[%parallel_loop3A_166, %parallel_loop3A_150], %parallel_loop3A_168 {add = true} : memref<4x10000xf32, #tpu.memory_space<vmem>>[vector<16xi32>, vector<16xi32>], vector<16xf32>,
      } {sc.loop_unroll_factor = 4 : i64, sc.parallel_access}
      %add3A_139 = arith.constant 2 : i32
      %add3A_140 = arith.addi %add3A_114, %add3A_139 : i32
      %lt3A_141 = arith.constant 40 : i32
      %lt3A_142 = arith.cmpi slt, %add3A_140, %lt3A_141 : i32
      %convert_element_type3A_143 = arith.extui %lt3A_142 : i1 to i32
      %cond3A_144 = arith.constant 0 : i32
      %cond3A_145 = arith.cmpi ne, %convert_element_type3A_143, %cond3A_144 : i32
      scf.if %cond3A_145 {
        %mul3A_146 = arith.constant 40 : i32
        %mul3A_147 = arith.muli %arg0, %mul3A_146 : i32
        %add3A_148 = arith.addi %mul3A_147, %add3A_114 : i32
        %add3A_149 = arith.constant 2 : i32
        %add3A_150 = arith.addi %add3A_148, %add3A_149 : i32
        %dma_start3A_151 = arith.constant 0 : i32
        %dma_start3A_152 = tpu.memref_slice %arg3[%add3A_150, %dma_start3A_151] : memref<80x4096xi32, #tpu.memory_space<hbm>> -> memref<1x4096xi32, #tpu.memory_space<hbm>>
        %dma_start3A_153 = tpu.memref_squeeze %dma_start3A_152 : memref<1x4096xi32, #tpu.memory_space<hbm>> -> memref<4096xi32, #tpu.memory_space<hbm>>
        %dma_start3A_154 = arith.constant 0 : i32
        %dma_start3A_155 = tpu.memref_slice %arg3[%add3A_150, %dma_start3A_154] : memref<80x4096xi32, #tpu.memory_space<hbm>> -> memref<1x4096xi32, #tpu.memory_space<hbm>>
        %dma_start3A_156 = tpu.memref_squeeze %dma_start3A_155 : memref<1x4096xi32, #tpu.memory_space<hbm>> -> memref<4096xi32, #tpu.memory_space<hbm>>
        tpu.enqueue_dma source(%dma_start3A_156 : memref<4096xi32, #tpu.memory_space<hbm>>) target(%arg10 : memref<4096xi32, #tpu.memory_space<vmem>>) target_semaphore(%arg17 : memref<!tpu.dma_semaphore, #tpu.memory_space<semaphore_mem>>)
        %dma_start3A_157 = arith.constant 0 : i32
        %dma_start3A_158 = tpu.memref_slice %arg4[%add3A_150, %dma_start3A_157] : memref<80x4096xi32, #tpu.memory_space<hbm>> -> memref<1x4096xi32, #tpu.memory_space<hbm>>
        %dma_start3A_159 = tpu.memref_squeeze %dma_start3A_158 : memref<1x4096xi32, #tpu.memory_space<hbm>> -> memref<4096xi32, #tpu.memory_space<hbm>>
        %dma_start3A_160 = arith.constant 0 : i32
        %dma_start3A_161 = tpu.memref_slice %arg4[%add3A_150, %dma_start3A_160] : memref<80x4096xi32, #tpu.memory_space<hbm>> -> memref<1x4096xi32, #tpu.memory_space<hbm>>
        %dma_start3A_162 = tpu.memref_squeeze %dma_start3A_161 : memref<1x4096xi32, #tpu.memory_space<hbm>> -> memref<4096xi32, #tpu.memory_space<hbm>>
        tpu.enqueue_dma source(%dma_start3A_162 : memref<4096xi32, #tpu.memory_space<hbm>>) target(%arg12 : memref<4096xi32, #tpu.memory_space<vmem>>) target_semaphore(%arg17 : memref<!tpu.dma_semaphore, #tpu.memory_space<semaphore_mem>>)
        %dma_start3A_163 = arith.constant 0 : i32
        %dma_start3A_164 = tpu.memref_slice %arg5[%add3A_150, %dma_start3A_163] : memref<80x4096xf32, #tpu.memory_space<hbm>> -> memref<1x4096xf32, #tpu.memory_space<hbm>>
        %dma_start3A_165 = tpu.memref_squeeze %dma_start3A_164 : memref<1x4096xf32, #tpu.memory_space<hbm>> -> memref<4096xf32, #tpu.memory_space<hbm>>
        %dma_start3A_166 = arith.constant 0 : i32
        %dma_start3A_167 = tpu.memref_slice %arg5[%add3A_150, %dma_start3A_166] : memref<80x4096xf32, #tpu.memory_space<hbm>> -> memref<1x4096xf32, #tpu.memory_space<hbm>>
        %dma_start3A_168 = tpu.memref_squeeze %dma_start3A_167 : memref<1x4096xf32, #tpu.memory_space<hbm>> -> memref<4096xf32, #tpu.memory_space<hbm>>
        tpu.enqueue_dma source(%dma_start3A_168 : memref<4096xf32, #tpu.memory_space<hbm>>) target(%arg14 : memref<4096xf32, #tpu.memory_space<vmem>>) target_semaphore(%arg17 : memref<!tpu.dma_semaphore, #tpu.memory_space<semaphore_mem>>)
      } else {
      }
    }
    %scan3A_59 = arith.constant 20 : i32
    %mul3A_60 = arith.constant 16 : i32
    %mul3A_61 = arith.muli %arg0, %mul3A_60 : i32
    %add3A_62 = arith.addi %mul3A_61, %arg1 : i32
    %dma_start3A_63 = arith.constant 0 : i32
    %dma_start3A_64 = arith.constant 0 : i32
    %dma_start3A_65 = tpu.memref_slice %arg6[%add3A_62, %dma_start3A_63, %dma_start3A_64] : memref<32x4x10000xf32, #tpu.memory_space<hbm>> -> memref<1x4x10000xf32, #tpu.memory_space<hbm>>
    %dma_start3A_66 = tpu.memref_squeeze %dma_start3A_65 : memref<1x4x10000xf32, #tpu.memory_space<hbm>> -> memref<4x10000xf32, #tpu.memory_space<hbm>>
    %dma_start3A_67 = arith.constant 0 : i32
    %dma_start3A_68 = arith.constant 0 : i32
    %dma_start3A_69 = tpu.memref_slice %arg6[%add3A_62, %dma_start3A_67, %dma_start3A_68] : memref<32x4x10000xf32, #tpu.memory_space<hbm>> -> memref<1x4x10000xf32, #tpu.memory_space<hbm>>
    %dma_start3A_70 = tpu.memref_squeeze %dma_start3A_69 : memref<1x4x10000xf32, #tpu.memory_space<hbm>> -> memref<4x10000xf32, #tpu.memory_space<hbm>>
    tpu.enqueue_dma source(%arg8 : memref<4x10000xf32, #tpu.memory_space<vmem>>) target(%dma_start3A_70 : memref<4x10000xf32, #tpu.memory_space<hbm>>) target_semaphore(%arg15 : memref<!tpu.dma_semaphore, #tpu.memory_space<semaphore_mem>>)
    %dma_wait3A_71 = arith.constant 0 : i32
    %dma_wait3A_72 = arith.constant 0 : i32
    %dma_wait3A_73 = tpu.memref_slice %arg6[%add3A_62, %dma_wait3A_71, %dma_wait3A_72] : memref<32x4x10000xf32, #tpu.memory_space<hbm>> -> memref<1x4x10000xf32, #tpu.memory_space<hbm>>
    %dma_wait3A_74 = tpu.memref_squeeze %dma_wait3A_73 : memref<1x4x10000xf32, #tpu.memory_space<hbm>> -> memref<4x10000xf32, #tpu.memory_space<hbm>>
    %dma_wait3A_75 = arith.constant 0 : i32
    %dma_wait3A_76 = arith.constant 0 : i32
    %dma_wait3A_77 = tpu.memref_slice %arg6[%add3A_62, %dma_wait3A_75, %dma_wait3A_76] : memref<32x4x10000xf32, #tpu.memory_space<hbm>> -> memref<1x4x10000xf32, #tpu.memory_space<hbm>>
    %dma_wait3A_78 = tpu.memref_squeeze %dma_wait3A_77 : memref<1x4x10000xf32, #tpu.memory_space<hbm>> -> memref<4x10000xf32, #tpu.memory_space<hbm>>
    tpu.wait_dma2 semaphore(%arg15 : memref<!tpu.dma_semaphore, #tpu.memory_space<semaphore_mem>>) src(%arg8 : memref<4x10000xf32, #tpu.memory_space<vmem>>) dst(%dma_wait3A_78 : memref<4x10000xf32, #tpu.memory_space<hbm>>)
    return
  }
}

module attributes {stable_mosaic.version = 14 : i64} {
  func.func @_mm1_body(%arg0: memref<128x64xf32, #tpu.memory_space<vmem>>, %arg1: memref<10000x128xf32, #tpu.memory_space<vmem>>, %arg2: memref<64x10000xf32, #tpu.memory_space<vmem>>) attributes {dimension_semantics = [], scalar_prefetch = 0 : i64, scratch_operands = 0 : i64, tpu.core_type = #tpu.core_type<tc>} {
    %get3A = arith.constant 0 : index
    %get3A_0 = arith.constant 0 : index
    %get3A_1 = vector.load %arg0[%get3A, %get3A_0] : memref<128x64xf32, #tpu.memory_space<vmem>>, vector<128x64xf32>
    %get3A_2 = arith.constant 0 : index
    %get3A_3 = arith.constant 0 : index
    %get3A_4 = vector.load %arg1[%get3A_2, %get3A_3] : memref<10000x128xf32, #tpu.memory_space<vmem>>, vector<10000x128xf32>
    %dot_general3A = arith.constant dense<0.000000e+00> : vector<64x10000xf32>
    %dot_general3A_5 = tpu.matmul %get3A_1, %get3A_4, %dot_general3A {dimension_numbers = #tpu.dot_dimension_numbers<[0], [1], [1], [0], [0, 1, 1, 0], [], []>, transpose_lhs_hint = false} : vector<128x64xf32>, vector<10000x128xf32>, vector<64x10000xf32> -> vector<64x10000xf32>
    %swap3A = arith.constant 0 : index
    %swap3A_6 = arith.constant 0 : index
    %swap3A_7 = vector.load %arg2[%swap3A, %swap3A_6] : memref<64x10000xf32, #tpu.memory_space<vmem>>, vector<64x10000xf32>
    tpu.vector_store %arg2[%swap3A, %swap3A_6], %dot_general3A_5 {strides = array<i32>} : memref<64x10000xf32, #tpu.memory_space<vmem>>, vector<64x10000xf32>,
    return
  }
}

module attributes {stable_mosaic.version = 14 : i64} {
  func.func @_prep_body(%arg0: memref<32x10000xf32, #tpu.memory_space<vmem>>, %arg1: memref<64x10000xf32, #tpu.memory_space<vmem>>, %arg2: memref<64x10000xf32, #tpu.memory_space<vmem>>, %arg3: memref<1x10000xf32, #tpu.memory_space<vmem>>) attributes {dimension_semantics = [], scalar_prefetch = 0 : i64, scratch_operands = 0 : i64, tpu.core_type = #tpu.core_type<tc>} {
    %get3A = arith.constant 0 : index
    %get3A_0 = arith.constant 0 : index
    %get3A_1 = vector.load %arg0[%get3A, %get3A_0] : memref<32x10000xf32, #tpu.memory_space<vmem>>, vector<32x10000xf32>
    %reduce_sum3A = arith.constant dense<0.000000e+00> : vector<10000xf32>
    %reduce_sum3A_2 = vector.multi_reduction <add>, %get3A_1, %reduce_sum3A [0] : vector<32x10000xf32> to vector<10000xf32>
    %broadcast_in_dim3A = vector.shape_cast %reduce_sum3A_2 : vector<10000xf32> to vector<1x10000xf32>
    %add3A = arith.constant 1.000000e+00 : f32
    %add3A_3 = vector.broadcast %add3A : f32 to vector<1x10000xf32>
    %add3A_4 = arith.addf %broadcast_in_dim3A, %add3A_3 : vector<1x10000xf32>
    %gt3A = arith.constant 0.000000e+00 : f32
    %gt3A_5 = vector.broadcast %gt3A : f32 to vector<1x10000xf32>
    %gt3A_6 = arith.cmpf ogt, %add3A_4, %gt3A_5 : vector<1x10000xf32>
    %gt3A_7 = arith.constant 0.000000e+00 : f32
    %gt3A_8 = vector.broadcast %gt3A_7 : f32 to vector<1x10000xf32>
    %gt3A_9 = arith.cmpf ogt, %add3A_4, %gt3A_8 : vector<1x10000xf32>
    %jit3A = arith.constant 1.000000e+00 : f32
    %broadcast_in_dim3A_10 = vector.broadcast %jit3A : f32 to vector<1x10000xf32>
    %select_n3A = arith.select %gt3A_9, %add3A_4, %broadcast_in_dim3A_10 : vector<1x10000xi1>, vector<1x10000xf32>
    %rsqrt3A = math.rsqrt %select_n3A : vector<1x10000xf32>
    %jit3A_11 = arith.constant 0.000000e+00 : f32
    %broadcast_in_dim3A_12 = vector.broadcast %jit3A_11 : f32 to vector<1x10000xf32>
    %select_n3A_13 = arith.select %gt3A_6, %rsqrt3A, %broadcast_in_dim3A_12 : vector<1x10000xi1>, vector<1x10000xf32>
    %get3A_14 = arith.constant 0 : index
    %get3A_15 = arith.constant 0 : index
    %get3A_16 = vector.load %arg1[%get3A_14, %get3A_15] : memref<64x10000xf32, #tpu.memory_space<vmem>>, vector<64x10000xf32>
    %mul3A = vector.broadcast %select_n3A_13 : vector<1x10000xf32> to vector<64x10000xf32>
    %mul3A_17 = arith.mulf %get3A_16, %mul3A : vector<64x10000xf32>
    %swap3A = arith.constant 0 : index
    %swap3A_18 = arith.constant 0 : index
    %swap3A_19 = vector.load %arg2[%swap3A, %swap3A_18] : memref<64x10000xf32, #tpu.memory_space<vmem>>, vector<64x10000xf32>
    tpu.vector_store %arg2[%swap3A, %swap3A_18], %mul3A_17 {strides = array<i32>} : memref<64x10000xf32, #tpu.memory_space<vmem>>, vector<64x10000xf32>,
    %swap3A_20 = arith.constant 0 : index
    %swap3A_21 = arith.constant 0 : index
    %swap3A_22 = vector.load %arg3[%swap3A_20, %swap3A_21] : memref<1x10000xf32, #tpu.memory_space<vmem>>, vector<1x10000xf32>
    tpu.vector_store %arg3[%swap3A_20, %swap3A_21], %select_n3A_13 {strides = array<i32>} : memref<1x10000xf32, #tpu.memory_space<vmem>>, vector<1x10000xf32>,
    return
  }
}

module attributes {stable_mosaic.version = 14 : i64} {
  func.func @_mid_body(%arg0: memref<2x64x10000xf32, #tpu.memory_space<vmem>>, %arg1: memref<64x10000xf32, #tpu.memory_space<vmem>>, %arg2: memref<1x10000xf32, #tpu.memory_space<vmem>>, %arg3: memref<64x1xf32, #tpu.memory_space<vmem>>, %arg4: memref<64x48xf32, #tpu.memory_space<vmem>>, %arg5: memref<48x10000xf32, #tpu.memory_space<vmem>>) attributes {dimension_semantics = [], scalar_prefetch = 0 : i64, scratch_operands = 0 : i64, tpu.core_type = #tpu.core_type<tc>} {
    %get3A = arith.constant 0 : index
    %get3A_0 = arith.constant 0 : index
    %get3A_1 = vector.load %arg2[%get3A, %get3A_0] : memref<1x10000xf32, #tpu.memory_space<vmem>>, vector<1x10000xf32>
    %get3A_2 = arith.constant 0 : index
    %get3A_3 = arith.constant 0 : index
    %get3A_4 = arith.constant 0 : index
    %get3A_5 = vector.load %arg0[%get3A_2, %get3A_3, %get3A_4] : memref<2x64x10000xf32, #tpu.memory_space<vmem>>, vector<1x64x10000xf32>
    %get3A_6 = vector.shape_cast %get3A_5 : vector<1x64x10000xf32> to vector<64x10000xf32>
    %get3A_7 = arith.constant 1 : index
    %get3A_8 = arith.constant 0 : index
    %get3A_9 = arith.constant 0 : index
    %get3A_10 = vector.load %arg0[%get3A_7, %get3A_8, %get3A_9] : memref<2x64x10000xf32, #tpu.memory_space<vmem>>, vector<1x64x10000xf32>
    %get3A_11 = vector.shape_cast %get3A_10 : vector<1x64x10000xf32> to vector<64x10000xf32>
    %add3A = arith.addf %get3A_6, %get3A_11 : vector<64x10000xf32>
    %get3A_12 = arith.constant 0 : index
    %get3A_13 = arith.constant 0 : index
    %get3A_14 = vector.load %arg1[%get3A_12, %get3A_13] : memref<64x10000xf32, #tpu.memory_space<vmem>>, vector<64x10000xf32>
    %add3A_15 = arith.addf %add3A, %get3A_14 : vector<64x10000xf32>
    %mul3A = vector.broadcast %get3A_1 : vector<1x10000xf32> to vector<64x10000xf32>
    %mul3A_16 = arith.mulf %add3A_15, %mul3A : vector<64x10000xf32>
    %get3A_17 = arith.constant 0 : index
    %get3A_18 = arith.constant 0 : index
    %get3A_19 = vector.load %arg3[%get3A_17, %get3A_18] : memref<64x1xf32, #tpu.memory_space<vmem>>, vector<64x1xf32>
    %add3A_20 = vector.broadcast %get3A_19 : vector<64x1xf32> to vector<64x10000xf32>
    %add3A_21 = arith.addf %mul3A_16, %add3A_20 : vector<64x10000xf32>
    %max3A = arith.constant 0.000000e+00 : f32
    %max3A_22 = vector.broadcast %max3A : f32 to vector<64x10000xf32>
    %max3A_23 = arith.maximumf %add3A_21, %max3A_22 : vector<64x10000xf32>
    %get3A_24 = arith.constant 0 : index
    %get3A_25 = arith.constant 0 : index
    %get3A_26 = vector.load %arg4[%get3A_24, %get3A_25] : memref<64x48xf32, #tpu.memory_space<vmem>>, vector<64x48xf32>
    %dot_general3A = arith.constant dense<0.000000e+00> : vector<48x10000xf32>
    %dot_general3A_27 = tpu.matmul %get3A_26, %max3A_23, %dot_general3A {dimension_numbers = #tpu.dot_dimension_numbers<[0], [0], [1], [1], [0, 1, 1, 1], [], []>, transpose_lhs_hint = false} : vector<64x48xf32>, vector<64x10000xf32>, vector<48x10000xf32> -> vector<48x10000xf32>
    %mul3A_28 = vector.broadcast %get3A_1 : vector<1x10000xf32> to vector<48x10000xf32>
    %mul3A_29 = arith.mulf %dot_general3A_27, %mul3A_28 : vector<48x10000xf32>
    %swap3A = arith.constant 0 : index
    %swap3A_30 = arith.constant 0 : index
    %swap3A_31 = vector.load %arg5[%swap3A, %swap3A_30] : memref<48x10000xf32, #tpu.memory_space<vmem>>, vector<48x10000xf32>
    tpu.vector_store %arg5[%swap3A, %swap3A_30], %mul3A_29 {strides = array<i32>} : memref<48x10000xf32, #tpu.memory_space<vmem>>, vector<48x10000xf32>,
    return
  }
}

module attributes {stable_mosaic.version = 14 : i64} {
  func.func @_fin_body(%arg0: memref<2x48x10000xf32, #tpu.memory_space<vmem>>, %arg1: memref<48x10000xf32, #tpu.memory_space<vmem>>, %arg2: memref<1x10000xf32, #tpu.memory_space<vmem>>, %arg3: memref<48x1xf32, #tpu.memory_space<vmem>>, %arg4: memref<40x10000xf32, #tpu.memory_space<vmem>>) attributes {dimension_semantics = [], scalar_prefetch = 0 : i64, scratch_operands = 0 : i64, tpu.core_type = #tpu.core_type<tc>} {
    %get3A = arith.constant 0 : index
    %get3A_0 = arith.constant 0 : index
    %get3A_1 = arith.constant 0 : index
    %get3A_2 = vector.load %arg0[%get3A, %get3A_0, %get3A_1] : memref<2x48x10000xf32, #tpu.memory_space<vmem>>, vector<1x48x10000xf32>
    %get3A_3 = vector.shape_cast %get3A_2 : vector<1x48x10000xf32> to vector<48x10000xf32>
    %get3A_4 = arith.constant 1 : index
    %get3A_5 = arith.constant 0 : index
    %get3A_6 = arith.constant 0 : index
    %get3A_7 = vector.load %arg0[%get3A_4, %get3A_5, %get3A_6] : memref<2x48x10000xf32, #tpu.memory_space<vmem>>, vector<1x48x10000xf32>
    %get3A_8 = vector.shape_cast %get3A_7 : vector<1x48x10000xf32> to vector<48x10000xf32>
    %add3A = arith.addf %get3A_3, %get3A_8 : vector<48x10000xf32>
    %get3A_9 = arith.constant 0 : index
    %get3A_10 = arith.constant 0 : index
    %get3A_11 = vector.load %arg1[%get3A_9, %get3A_10] : memref<48x10000xf32, #tpu.memory_space<vmem>>, vector<48x10000xf32>
    %add3A_12 = arith.addf %add3A, %get3A_11 : vector<48x10000xf32>
    %get3A_13 = arith.constant 0 : index
    %get3A_14 = arith.constant 0 : index
    %get3A_15 = vector.load %arg2[%get3A_13, %get3A_14] : memref<1x10000xf32, #tpu.memory_space<vmem>>, vector<1x10000xf32>
    %mul3A = vector.broadcast %get3A_15 : vector<1x10000xf32> to vector<48x10000xf32>
    %mul3A_16 = arith.mulf %add3A_12, %mul3A : vector<48x10000xf32>
    %get3A_17 = arith.constant 0 : index
    %get3A_18 = arith.constant 0 : index
    %get3A_19 = vector.load %arg3[%get3A_17, %get3A_18] : memref<48x1xf32, #tpu.memory_space<vmem>>, vector<48x1xf32>
    %add3A_20 = vector.broadcast %get3A_19 : vector<48x1xf32> to vector<48x10000xf32>
    %add3A_21 = arith.addf %mul3A_16, %add3A_20 : vector<48x10000xf32>
    %slice3A = vector.extract_strided_slice %add3A_21 {offsets = [0, 0], sizes = [40, 10000], strides = [1, 1]} : vector<48x10000xf32> to vector<40x10000xf32>
    %reduce_max3A = arith.constant dense<0xFF800000> : vector<10000xf32>
    %reduce_max3A_22 = vector.multi_reduction <maximumf>, %slice3A, %reduce_max3A [0] : vector<40x10000xf32> to vector<10000xf32>
    %broadcast_in_dim3A = vector.shape_cast %reduce_max3A_22 : vector<10000xf32> to vector<1x10000xf32>
    %sub3A = vector.broadcast %broadcast_in_dim3A : vector<1x10000xf32> to vector<40x10000xf32>
    %sub3A_23 = arith.subf %slice3A, %sub3A : vector<40x10000xf32>
    %exp3A = math.exp %sub3A_23 : vector<40x10000xf32>
    %reduce_sum3A = arith.constant dense<0.000000e+00> : vector<10000xf32>
    %reduce_sum3A_24 = vector.multi_reduction <add>, %exp3A, %reduce_sum3A [0] : vector<40x10000xf32> to vector<10000xf32>
    %broadcast_in_dim3A_25 = vector.shape_cast %reduce_sum3A_24 : vector<10000xf32> to vector<1x10000xf32>
    %log3A = math.log %broadcast_in_dim3A_25 : vector<1x10000xf32>
    %add3A_26 = arith.addf %log3A, %broadcast_in_dim3A : vector<1x10000xf32>
    %sub3A_27 = vector.broadcast %add3A_26 : vector<1x10000xf32> to vector<40x10000xf32>
    %sub3A_28 = arith.subf %slice3A, %sub3A_27 : vector<40x10000xf32>
    %swap3A = arith.constant 0 : index
    %swap3A_29 = arith.constant 0 : index
    %swap3A_30 = vector.load %arg4[%swap3A, %swap3A_29] : memref<40x10000xf32, #tpu.memory_space<vmem>>, vector<40x10000xf32>
    tpu.vector_store %arg4[%swap3A, %swap3A_29], %sub3A_28 {strides = array<i32>} : memref<40x10000xf32, #tpu.memory_space<vmem>>, vector<40x10000xf32>,
    return
  }
}

</mosaic_0001>

<sc_bundles>
// kernel: kernel.12.cloned.1.call-start
scs
__scs_entry_jumppad:
0x0: {  	(pc) =	sbr.rel $0x88, $3  }
0x1: {  	(tag) =	ssettag $0x0;
	lr =	simm.s32 $0x1  }
0x2: {  	[smem:$0x3F9A] =	sst lr;
	_ =	strace $0xD0000000  }
0x3: {  	_ = 	snop  }
0x4: {  	_ = 	snop  }
0x5: {  	_ = 	snop  }
0x6: {  	_ = 	snop  }
0x7: {  	_ = 	snop  }
__scs_overlays_trampoline_lowered:
0x8: {  	[smem:$0x3FA9] =	sst s0  }
0x9: {  	[smem:$0x3FAA] =	sst s1  }
0xa: {  	[smem:$0x3FAB] =	sst s2  }
0xb: {  	[smem:$0x3FAC] =	sst s3  }
0xc: {  	[smem:$0x3FAD] =	sst s4  }
0xd: {  	[smem:$0x3FAE] =	sst s5  }
0xe: {  	[smem:$0x3FAF] =	sst s6  }
0xf: {  	[smem:$0x3FB0] =	sst s7  }
0x10: {  	[smem:$0x3FB1] =	sst s8  }
0x11: {  	[smem:$0x3FB2] =	sst s9;
	s0 =	simm.s32 @!p0 $0x0  }
0x12: {  	s1 =	sld [smem:$0x3F98];
	s0 =	simm.s32 @p0 $0x1  }
0x13: {  	[smem:$0x3FB3] =	sst s0;
	s0 =	simm.s32 @!p1 $0x0  }
0x14: {  	s2 =	sld [smem:$0x3F97];
	s0 =	simm.s32 @p1 $0x1  }
0x15: {  	[smem:$0x3FB4] =	sst s0;
	s0 =	simm.s32 @!p2 $0x0  }
0x16: {  	s3 =	sld [smem:$0x3FDB];
	s0 =	simm.s32 @p2 $0x1  }
0x17: {  	s4 =	simm.s32 $0x1BF5;
	[smem:$0x3FB6] =	sst s0  }
0x18: {  	s0 =	sld [smem:$0x3F99];
	_ =	swait.ge [sflag:s4], $0x0  }
0x19: {  	s7 =	sld [smem:$0x3F9A]  }
0x1a: {  	s8 =	sadd.s32 $0xFFFFE003, lr  }
0x1b: {  	s9 =	sadd.s32 $0xFFFFFEF7, lr;
	s5 =	simm.s32 $0xFFFFFFFF;
	p2 =	slt.u32 s8, $0xFFFFF086  }
0x1c: {  	p1 =	slt.u32 s9, $0xF7A;
	s5 =	simm.s32 @!p2 $0x0  }
0x1d: {  	s5 =	simm.s32 @p1 $0x1;
	p0 =	seq.s32 s7, s2  }
0x1e: {  	s7 =	smul.u32 @!p0 $0xF7A, s2;
	p2 =	seq.s32 @!p0 s5, $0x0  }
0x1f: {  	s9 =	smul.u32 $0xF7A, s1;
	s8 =	simm.s32 @!p0 $0x1BF5;
	p2 =	por !p2, p0  }
0x20: {  	[sflag:s8] =	ssyncset.s32 @!p0 $0xFFFFF086;
	s6 =	sadd.s32 @!p0 s3, s7;
	s7 =	simm.s32 @!p0 $0x108  }
0x21: {  	s3 =	sadd.s32 s3, s9;
	s6 =	sadd.s32 @!p0 $0x88, s6;
	s7 =	simm.s32 @p2 $0x1082  }
0x22: {  	[simem:s7], [sflag:s8] =	dma.local @!p0 [hbm:s6], $0xF7A  }
0x23: {  	s9 =	sor.u32 $0xD0000000, s2;
	s6 =	simm.s32 $0x108;
	_ =	swait.ge @!p0 [sflag:s8], $0x0  }
0x24: {  	s3 =	sadd.s32 $0x88, s3;
	s6 =	simm.s32 @!p1 $0x1082;
	[sflag:s4] =	ssyncset.s32 $0xFFFFF086  }
0x25: {  	[simem:s6], [sflag:s4] =	dma.local [hbm:s3], $0xF7A  }
0x26: {  	[smem:$0x3F9A] =	sst s1;
	(tag) =	ssettag s2;
	_ =	strace s9  }
0x27: {  	s1 =	sld [smem:$0x3FAA]  }
0x28: {  	s2 =	sld [smem:$0x3FAB]  }
0x29: {  	s4 =	sld [smem:$0x3FAD]  }
0x2a: {  	p0 =	seq.s32 s5, $0x0;
	s5 =	sld [smem:$0x3FAE]  }
0x2b: {  	s6 =	sld [smem:$0x3FAF]  }
0x2c: {  	s7 =	sld [smem:$0x3FB0]  }
0x2d: {  	s3 =	simm.s32 $0x108;
	s8 =	sld [smem:$0x3FB1]  }
0x2e: {  	s3 =	simm.s32 @!p0 $0x1082;
	s9 =	sld [smem:$0x3FB2]  }
0x2f: {  	lr =	sadd.s32 s0, s3;
	s0 =	sld [smem:$0x3FA9]  }
0x30: {  	s3 =	sld [smem:$0x3FAC]  }
0x31: {  	[smem:$0x3FB5] =	sst s10  }
0x32: {  	s10 =	sld [smem:$0x3FB3];
	_ =	sdelay $0x3  }
0x33: {  	p0 =	seq.s32 s10, $0x1;
	s10 =	sld [smem:$0x3FB5];
	_ =	sdelay $0x3  }
0x34: {  	[smem:$0x3FB5] =	sst s10  }
0x35: {  	s10 =	sld [smem:$0x3FB4];
	_ =	sdelay $0x3  }
0x36: {  	p1 =	seq.s32 s10, $0x1;
	s10 =	sld [smem:$0x3FB5];
	_ =	sdelay $0x3  }
0x37: {  	[smem:$0x3FB5] =	sst s10  }
0x38: {  	s10 =	sld [smem:$0x3FB6]  }
0x39: {  	_ = 	snop;
	(pc) =	sbr.ind lr, $3  }
0x3a: {  	_ = 	snop  }
0x3b: {  	_ = 	snop  }
0x3c: {  	p2 =	seq.s32 s10, $0x1;
	s10 =	sld [smem:$0x3FB5]  }
0x3d: {  	_ =	shalt  }
0x3e: {  	_ =	shalt  }
0x3f: {  	_ =	shalt  }
0x40: {  	_ =	shalt  }
0x41: {  	_ =	shalt  }
0x42: {  	_ =	shalt  }
0x43: {  	_ =	shalt  }
0x44: {  	_ =	shalt  }
0x45: {  	_ =	shalt  }
0x46: {  	_ =	shalt  }
0x47: {  	_ =	shalt  }
0x48: {  	_ =	shalt  }
0x49: {  	_ =	shalt  }
0x4a: {  	_ =	shalt  }
0x4b: {  	_ =	shalt  }
0x4c: {  	_ =	shalt  }
0x4d: {  	_ =	shalt  }
0x4e: {  	_ =	shalt  }
0x4f: {  	_ =	shalt  }
0x50: {  	_ =	shalt  }
0x51: {  	_ =	shalt  }
0x52: {  	_ =	shalt  }
0x53: {  	_ =	shalt  }
0x54: {  	_ =	shalt  }
0x55: {  	_ =	shalt  }
0x56: {  	_ =	shalt  }
0x57: {  	_ =	shalt  }
0x58: {  	_ =	shalt  }
0x59: {  	_ =	shalt  }
0x5a: {  	_ =	shalt  }
0x5b: {  	_ =	shalt  }
0x5c: {  	_ =	shalt  }
0x5d: {  	_ =	shalt  }
0x5e: {  	_ =	shalt  }
0x5f: {  	_ =	shalt  }
0x60: {  	_ =	shalt  }
0x61: {  	_ =	shalt  }
0x62: {  	_ =	shalt  }
0x63: {  	_ =	shalt  }
0x64: {  	_ =	shalt  }
0x65: {  	_ =	shalt  }
0x66: {  	_ =	shalt  }
0x67: {  	_ =	shalt  }
0x68: {  	_ =	shalt  }
0x69: {  	_ =	shalt  }
0x6a: {  	_ =	shalt  }
0x6b: {  	_ =	shalt  }
0x6c: {  	_ =	shalt  }
0x6d: {  	_ =	shalt  }
0x6e: {  	_ =	shalt  }
0x6f: {  	_ =	shalt  }
0x70: {  	_ =	shalt  }
0x71: {  	_ =	shalt  }
0x72: {  	_ =	shalt  }
0x73: {  	_ =	shalt  }
0x74: {  	_ =	shalt  }
0x75: {  	_ =	shalt  }
0x76: {  	_ =	shalt  }
0x77: {  	_ =	shalt  }
0x78: {  	_ =	shalt  }
0x79: {  	_ =	shalt  }
0x7a: {  	_ =	shalt  }
0x7b: {  	_ =	shalt  }
0x7c: {  	_ =	shalt  }
0x7d: {  	_ =	shalt  }
0x7e: {  	_ =	shalt  }
0x7f: {  	_ =	shalt  }
0x80: {  	_ =	shalt  }
0x81: {  	_ =	shalt  }
0x82: {  	_ =	shalt  }
0x83: {  	_ =	shalt  }
0x84: {  	_ =	shalt  }
0x85: {  	_ =	shalt  }
0x86: {  	_ =	shalt  }
0x87: {  	_ =	shalt  }
.Lfunc_end0:
.L_simem_size_0:
called_computation.1_lowered:
.L_overlay_start_0:
0x88: {  	s2 =	sld [smem:$0x3FD9]  }
0x89: {  	s3 =	sld [smem:$0x3FFE];
	_ =	sdelay $0x1  }
0x8a: {  	s1 =	srdreg.scid  }
0x8b: {  	s0 =	sand.u32 $0x1, s1  }
0x8c: {  	s17 =	sshll.u32 s0, $0xA;
	s2 =	sadd.s32 s3, s2  }
0x8d: {  	s2 =	sadd.s32 s2, s17  }
0x8e: {  	[smem:$0x3FC1] =	sst s2  }
0x8f: {  	_ = 	snop  }
0x90: {  	s2 =	sld [smem:$0x3FD0];
	(tm) =	ssettm $0x1  }
0x91: {  	s18 =	sld [smem:$0x3FFB];
	_ =	sdelay $0x3  }
0x92: {  	_ =	strace s18  }
0x93: {  	s3 =	sld [smem:$0x3FFC];
	_ =	sdelay $0x3  }
0x94: {  	_ =	strace s3  }
0x95: {  	s3 =	sld [smem:$0x3FFD];
	_ =	sdelay $0x3  }
0x96: {  	_ =	strace s3  }
0x97: {  	_ =	strace $0x8FFFFFFF  }
0x98: {  	s19 =	sld [smem:$0x3FDB];
	_ =	sdelay $0x1  }
0x99: {  	s4 =	simm.s32 $_scs_section_size  }
0x9a: {  	s5 =	simm.s32 $_size__tile_overlayer_lowered;
	s6 =	simm.s32 $_tile_overlayer_lowered  }
0x9b: {  	s22 =	simm.s32 $0x1BFF;
	s21 =	sshll.u32 s6, $0x1;
	s3 =	sadd.s32 s4, s19  }
0x9c: {  	s7 =	simm.s32 $0x0;
	s20 =	sshll.u32 s5, $0x1;
	s5 =	sadd.s32 s21, s3  }
0x9d: {  	[timem:s7], [sflag:s22] =	dma.local [hbm:s5], s20  }
0x9e: {  	_ =	swait.ge [sflag:s22], s20  }
0x9f: {  	s4 =	ssub.s32 $0x0, s20;
	[sflag:s22] =	ssyncset.done $0x0  }
0xa0: {  	[sflag:s22] =	ssyncadd.s32 s4;
	_ =	sdelay $0x1  }
0xa1: {  	s23 =	simm.s32 $0x1B8B  }
0xa2: {  	_ =	swait.ge [sflag:s23], $0x1  }
0xa3: {  	[sflag:s23] =	ssyncset.done $0x0  }
0xa4: {  	s25 =	simm.s32 $0x1B8E;
	s24 =	sld [smem:$0x3FFE];
	[sflag:s23] =	ssyncadd.s32 $0xFFFFFFFF  }
0xa5: {  	s26 =	simm.s32 $execute0_lowered;
	[smem:$0x3FD2] =	sst s25  }
0xa6: {  	s5 =	sshll.u32 s26, $0x1;
	_ =	strace $0x80000049;
	[dreg:$0x1] =	wrdreg $0xFFFFFFFF  }
0xa7: {  	s28 =	simm.s32 $_size_execute0_lowered;
	s3 =	sadd.s32 s3, s5;
	[dreg:$0x0] =	wrdreg $0x0  }
0xa8: {  	s5 =	sshll.u32 s28, $0x1;
	[dreg:$0x2] =	wrdreg s3  }
0xa9: {  	[dreg:$0x3] =	wrdreg s5  }
0xaa: {  	[dreg:$0x4] =	wrdreg $0xC0  }
0xab: {  	_ =	task [dreg:s7], $0x5FFFF  }
0xac: {  	[dreg:$0x1] =	wrdreg $0xFFFFFFFF  }
0xad: {  	[dreg:$0x0] =	wrdreg $0x60  }
0xae: {  	[dreg:$0x2] =	wrdreg s24  }
0xaf: {  	[dreg:$0x3] =	wrdreg s2  }
0xb0: {  	[dreg:$0x4] =	wrdreg $0x9  }
0xb1: {  	_ =	task.clear_ibuf [dreg:s7], $0x5FFFF;
	_ =	strace $0x90000049  }
0xb2: {  	s29 =	simm.s32 $0x9;
	_ =	strace $0x8000004B  }
0xb3: {  	_ =	swait.ge [sflag:s29], $0x1  }
0xb4: {  	[sflag:s29] =	ssyncadd.s32 $0xFFFFFFFF  }
0xb5: {  	_ =	strace $0x9000004B  }
0xb6: {  	_ =	sfence  }
0xb7: {  	s30 =	sld [smem:$0x0];
	_ =	sdelay $0x2  }
0xb8: {  	s31 =	sshll.u32 s1, $0xD;
	s1 =	sshrl.u32 s1, $0x2  }
0xb9: {  	s3 =	sand.u32 $0x4000, s31;
	s1 =	sadd.s32 s1, s30  }
0xba: {  	s0 =	sor.u32 s3, s0;
	s1 =	sshll.u32 s1, $0x11  }
0xbb: {  	s0 =	sor.u32 s1, s0  }
0xbc: {  	s0 =	sadd.s32 $0x8F2B, s0  }
0xbd: {  	[sflag:s0] =	ssyncadd.remote.s32 $0x1  }
0xbe: {  	_ =	sfence.sel $0xFFFF  }
0xbf: {  	[dreg:$0x0] =	wrdreg $0xFFFFFFFF;
	(pc) =	sbr.abs _section_cstart, $3  }
0xc0: {  	[dreg:$0x1] =	wrdreg $0xFFFFFFFF  }
0xc1: {  	_ =	task.clear_ibuf [dreg:s7], $0x2FFFF;
	_ =	strace $0x9FFFFFFF  }
0xc2: {  	(tm) =	ssettm $0x7FFFFFFF  }
0xc3: {  	_ =	shalt  }
tec
execute0_lowered:
.L_overlay_start_1:
0x0: {  	(tag) =	ssettag $0x1  }
0x1: {  	s0 =	rddreg [dreg:$0x0]  }
0x2: {  	s2 =	rddreg [dreg:$0x1]  }
0x3: {  	s1 =	srdreg.scid;
	s6 =	stileid.u32  }
0x4: {  	s3 =	simm.s32 $0x0;
	s18 =	simm.s32 $0x15880;
	s19 =	simm.s32 $0x17880  }
0x5: {  	s20 =	simm.s32 $0x14880;
	s21 =	simm.s32 $0x16880;
	s22 =	simm.s32 $0x18880  }
0x6: {  	s23 =	simm.s32 $0x1;
	s24 =	simm.s32 $0x2;
	s25 =	simm.s32 $0x9C40  }
0x7: {  	s26 =	simm.s32 $0x3;
	s28 =	simm.s32 $0x0;
	s1 =	sand.u32 $0x1, s1  }
0x8: {  	s4 =	smul.u32 $0x1388, s6;
	[smem:$0x7FF] =	sst s3;
	s5 =	sshll.u32 s1, $0x4  }
0x9: {  	_ =	strace $0x8000004A;
	s8 =	ssub.s32 $0x2, s1;
	s10 =	smul.u32 $0x5000, s1  }
0xa: {  	s5 =	sor.u32 s6, s5;
	s29 =	sadd.s32 s4, s0;
	s4 =	sadd.s32 $0xBA00, s0  }
0xb: {  	s30 =	sshrl.u32 s8, $0x1;
	s7 =	smul.u32 $0x1388, s5;
	s5 =	sadd.s32 $0x1A00, s0  }
.Ltmp0:
0xc: {  	s16 =	ssub.s32 s8, s30;
	s6 =	sadd.s32 $0x15A00, s29;
	(pc) =	sbr.rel .LBB2_1-.Ltmp0, $4  }
0xd: {  	s8 =	sadd.s32 s2, s10;
	s9 =	sadd.s32 s4, s10;
	s31 =	sor.u32 $0x200, s10  }
0xe: {  	s10 =	sadd.s32 s5, s10;
	s0 =	sadd.s32 s7, s0;
	s7 =	smul.u32 $0x28, s1  }
0xf: {  	s11 =	sadd.s32 s2, s31;
	s12 =	sadd.s32 s4, s31;
	s13 =	sadd.s32 s5, s31  }
0x10: {  	v0 =	vimm.f32 $0.0e+00;
	s16 =	smax.u32 s16, $0x1;
	s15 =	sadd.s32 $0x29400, s0;
	s14 =	sor.u32 $0x1, s7  }
.LBB2_10:
0x11: {  	s28 =	sadd.s32 $0x1, s28  }
0x12: {  	p0 =	sne.s32 s28, s16  }
.Ltmp1:
0x13: {  	_ = 	snop;
	(pc) =	sbr.rel @!p0 .LBB2_11-.Ltmp1, $4  }
0x14: {  	[hbm4b:s15+s3] =	stream.linear.scatter [tilespmem:s25], [sflag:$0x1], $0x9C40, $0x38;
	[tilespmem:$0x19880] =	vst v63  }
0x15: {  	_ =	swait.ge [sflag:s23], $0x9C40  }
0x16: {  	[sflag:s23] =	ssyncset.done $0x0  }
0x17: {  	[sflag:s23] =	ssyncadd.s32 $0xFFFF63C0  }
.LBB2_1:
0x18: {  	[tilespmem:s3], [sflag:$0x1] =	stream.linear.gather [hbm4b:s6+s3], $0x9C40, $0x38;
	[tilespmem:$0x19880] =	vst v63  }
0x19: {  	s0 =	simm.s32 $0x13880  }
0x1a: {  	[tilespmem:s0], [sflag:$0x2] =	stream.linear.gather [hbm4b:s8+s3], $0x1000, $0x38;
	[tilespmem:$0x19880] =	vst v63  }
0x1b: {  	_ = 	snop  }
0x1c: {  	[tilespmem:s18], [sflag:$0x2] =	stream.linear.gather [hbm4b:s9+s3], $0x1000, $0x38;
	[tilespmem:$0x19880] =	vst v63  }
0x1d: {  	_ = 	snop  }
0x1e: {  	[tilespmem:s19], [sflag:$0x2] =	stream.linear.gather [hbm4b:s10+s3], $0x1000, $0x38;
	[tilespmem:$0x19880] =	vst v63  }
0x1f: {  	_ = 	snop  }
0x20: {  	[tilespmem:s20], [sflag:$0x3] =	stream.linear.gather [hbm4b:s11+s3], $0x1000, $0x38;
	[tilespmem:$0x19880] =	vst v63  }
0x21: {  	_ = 	snop  }
0x22: {  	[tilespmem:s21], [sflag:$0x3] =	stream.linear.gather [hbm4b:s12+s3], $0x1000, $0x38;
	[tilespmem:$0x19880] =	vst v63  }
0x23: {  	s1 =	simm.s32 $0x40;
	s0 =	simm.s32 $0x0  }
0x24: {  	[tilespmem:s22], [sflag:$0x3] =	stream.linear.gather [hbm4b:s13+s3], $0x1000, $0x38;
	[tilespmem:$0x19880] =	vst v63  }
.LBB2_2:
0x25: {  	p0 =	sne.s32 s1, $0x9C00;
	[tilespmem:s0+$0x11170] =	vst v0;
	s17 =	smov.u32 s1;
	s1 =	sadd.s32 $0x40, s1  }
.Ltmp2:
0x26: {  	[tilespmem:s0+$0xEA60] =	vst v0;
	(pc) =	sbr.rel @p0 .LBB2_2-.Ltmp2, $3  }
0x27: {  	[tilespmem:s0+$0x9C40] =	vst v0  }
0x28: {  	[tilespmem:s0+$0xC350] =	vst v0;
	_ =	sdelay $0x1  }
0x29: {  	s0 =	sshra.s32 s17, $0x2  }
0x2a: {  	[tilespmem:s0+$0x11170] =	vst v0  }
0x2b: {  	[tilespmem:s0+$0xEA60] =	vst v0  }
0x2c: {  	[tilespmem:s0+$0x9C40] =	vst v0  }
0x2d: {  	[tilespmem:s0+$0xC350] =	vst v0  }
0x2e: {  	_ =	swait.ge [sflag:s23], $0x9C40  }
0x2f: {  	[sflag:s23] =	ssyncset.done $0x0  }
0x30: {  	s29 =	simm.s32 $0x0;
	[sflag:s23] =	ssyncadd.s32 $0xFFFF63C0  }
.LBB2_4:
0x31: {  	_ =	swait.ge [sflag:s24], $0x1000  }
0x32: {  	[sflag:s24] =	ssyncset.done $0x0  }
0x33: {  	[sflag:s24] =	ssyncadd.s32 $0xFFFFF000  }
0x34: {  	_ =	swait.ge [sflag:s24], $0x1000  }
0x35: {  	[sflag:s24] =	ssyncset.done $0x0  }
0x36: {  	[sflag:s24] =	ssyncadd.s32 $0xFFFFF000  }
0x37: {  	_ =	swait.ge [sflag:s24], $0x1000  }
0x38: {  	[sflag:s24] =	ssyncset.done $0x0  }
0x39: {  	s0 =	simm.s32 $0x138A0;
	[sflag:s24] =	ssyncadd.s32 $0xFFFFF000  }
0x3a: {  	v4 =	vld [tilespmem:s0+$0x10];
	_ =	sdelay $0x3  }
0x3b: {  	v5 =	vld [tilespmem:s0+$0xFFFFFFF0]  }
0x3c: {  	s30 =	simm.s32 $0x158A0;
	v7 =	vld [tilespmem:s0+$0xFFFFFFE0]  }
0x3d: {  	s31 =	simm.s32 $0x178A0;
	v8 =	vld [tilespmem:s30+$0x10]  }
0x3e: {  	v11 =	vld [tilespmem:s31+$0x10]  }
0x3f: {  	v1 =	vld.idx.msk [tilespmem:v4+s3+$0x0], $0xffff  }
0x40: {  	v6 =	vld [tilespmem:s0+$0x0]  }
0x41: {  	v2 =	vld [tilespmem:s31+$0xFFFFFFE0]  }
0x42: {  	v15 =	vld [tilespmem:s30+$0xFFFFFFE0];
	v3 =	vadd.s32 $0x2710, v4  }
0x43: {  	v16 =	vld [tilespmem:s30+$0xFFFFFFF0]  }
0x44: {  	v17 =	vld [tilespmem:s30+$0x0];
	v13 =	vmul.f32 v1, v11  }
0x45: {  	v10 =	vld.idx.msk [tilespmem:v7+s3+$0x0], $0xffff  }
0x46: {  	[tilespmem:v8+s25+$0x0] =	vst.idx.add.f32.msk $0xffff, v13  }
0x47: {  	v13 =	vld.idx.msk [tilespmem:v3+s3+$0x0], $0xffff  }
0x48: {  	v9 =	vld.idx.msk [tilespmem:v5+s3+$0x0], $0xffff  }
0x49: {  	v14 =	vadd.s32 $0x2710, v8;
	v12 =	vld.idx.msk [tilespmem:v6+s3+$0x0], $0xffff  }
0x4a: {  	v18 =	vadd.s32 $0x4E20, v4;
	v1 =	vld [tilespmem:s31+$0xFFFFFFF0]  }
0x4b: {  	v19 =	vadd.s32 $0x2710, v7;
	v10 =	vmul.f32 v10, v2;
	v3 =	vld [tilespmem:s31+$0x0]  }
0x4c: {  	v13 =	vmul.f32 v13, v11  }
0x4d: {  	[tilespmem:v15+s25+$0x0] =	vst.idx.add.f32.msk $0xffff, v10  }
0x4e: {  	[tilespmem:v14+s25+$0x0] =	vst.idx.add.f32.msk $0xffff, v13;
	v13 =	vadd.s32 $0x2710, v5  }
0x4f: {  	v60 =	vadd.s32 $0x2710, v6;
	v9 =	vmul.f32 v9, v1;
	v14 =	vld.idx.msk [tilespmem:v18+s3+$0x0], $0xffff  }
0x50: {  	v10 =	vld.idx.msk [tilespmem:v19+s3+$0x0], $0xffff;
	v12 =	vmul.f32 v12, v3  }
0x51: {  	[tilespmem:v16+s25+$0x0] =	vst.idx.add.f32.msk $0xffff, v9;
	v9 =	vadd.s32 $0x4E20, v8  }
0x52: {  	v4 =	vadd.s32 $0x7530, v4;
	[tilespmem:v17+s25+$0x0] =	vst.idx.add.f32.msk $0xffff, v12  }
0x53: {  	v12 =	vld.idx.msk [tilespmem:v13+s3+$0x0], $0xffff  }
0x54: {  	v18 =	vld.idx.msk [tilespmem:v60+s3+$0x0], $0xffff;
	v13 =	vadd.s32 $0x2710, v15;
	v14 =	vmul.f32 v14, v11  }
0x55: {  	v61 =	vadd.s32 $0x2710, v16  }
0x56: {  	v20 =	vadd.s32 $0x2710, v17;
	[tilespmem:v9+s25+$0x0] =	vst.idx.add.f32.msk $0xffff, v14  }
0x57: {  	v14 =	vadd.s32 $0x4E20, v7;
	v21 =	vld.idx.msk [tilespmem:v4+s3+$0x0], $0xffff;
	v4 =	vmul.f32 v10, v2  }
0x58: {  	v22 =	vadd.s32 $0x4E20, v5;
	v9 =	vmul.f32 v12, v1  }
0x59: {  	v62 =	vadd.s32 $0x7530, v8;
	v12 =	vmul.f32 v18, v3;
	[tilespmem:v13+s25+$0x0] =	vst.idx.add.f32.msk $0xffff, v4  }
0x5a: {  	[tilespmem:v61+s25+$0x0] =	vst.idx.add.f32.msk $0xffff, v9  }
0x5b: {  	v8 =	vadd.s32 $0x7530, v17;
	v10 =	vadd.s32 $0x4E20, v6;
	[tilespmem:v20+s25+$0x0] =	vst.idx.add.f32.msk $0xffff, v12  }
0x5c: {  	v6 =	vadd.s32 $0x7530, v6;
	v4 =	vadd.s32 $0x7530, v5;
	v14 =	vld.idx.msk [tilespmem:v14+s3+$0x0], $0xffff;
	v63 =	vmul.f32 v21, v11  }
0x5d: {  	v5 =	vadd.s32 $0x7530, v15;
	v13 =	vadd.s32 $0x4E20, v16;
	v12 =	vadd.s32 $0x4E20, v15;
	v15 =	vld.idx.msk [tilespmem:v22+s3+$0x0], $0xffff  }
0x5e: {  	s1 =	simm.s32 $0x138E0;
	s0 =	simm.s32 $0x0;
	v9 =	vadd.s32 $0x7530, v7;
	v7 =	vadd.s32 $0x7530, v16;
	v11 =	vadd.s32 $0x4E20, v17;
	[tilespmem:v62+s25+$0x0] =	vst.idx.add.f32.msk $0xffff, v63  }
.LBB2_5:
0x5f: {  	v16 =	vld [tilespmem:s1+$0x10];
	s0 =	sadd.s32 $0x40, s0  }
0x60: {  	v17 =	vld [tilespmem:s1+$0xFFFFFFF0];
	p0 =	slt.u32 s0, $0xFC0  }
0x61: {  	v18 =	vld [tilespmem:s1+$0x0]  }
0x62: {  	v14 =	vmul.f32 v14, v2;
	v19 =	vld [tilespmem:s1+$0xFFFFFFE0]  }
0x63: {  	v15 =	vmul.f32 v15, v1;
	v20 =	vld.idx.msk [tilespmem:v10+s3+$0x0], $0xffff  }
0x64: {  	[tilespmem:v12+s25+$0x0] =	vst.idx.add.f32.msk $0xffff, v14  }
0x65: {  	s30 =	sadd.s32 $0x40, s30;
	v14 =	vadd.s32 $0x2710, v17;
	v21 =	vadd.s32 $0x4E20, v17;
	v22 =	vadd.s32 $0x7530, v17;
	[tilespmem:v13+s25+$0x0] =	vst.idx.add.f32.msk $0xffff, v15  }
0x66: {  	v15 =	vadd.s32 $0x2710, v18;
	v10 =	vadd.s32 $0x4E20, v18;
	v23 =	vadd.s32 $0x7530, v18;
	v24 =	vld [tilespmem:s30+$0x10]  }
0x67: {  	s31 =	sadd.s32 $0x40, s31;
	v25 =	vadd.s32 $0x2710, v19;
	v26 =	vadd.s32 $0x4E20, v19;
	v12 =	vadd.s32 $0x7530, v19;
	v13 =	vld.idx.msk [tilespmem:v16+s3+$0x0], $0xffff  }
0x68: {  	v27 =	vld [tilespmem:s31+$0x10]  }
0x69: {  	v20 =	vmul.f32 v20, v3;
	v17 =	vld.idx.msk [tilespmem:v17+s3+$0x0], $0xffff  }
0x6a: {  	v19 =	vld.idx.msk [tilespmem:v19+s3+$0x0], $0xffff  }
0x6b: {  	v28 =	vadd.s32 $0x2710, v16;
	v18 =	vld.idx.msk [tilespmem:v18+s3+$0x0], $0xffff  }
0x6c: {  	v29 =	vld [tilespmem:s31+$0xFFFFFFE0]  }
0x6d: {  	v30 =	vld [tilespmem:s31+$0xFFFFFFF0];
	v13 =	vmul.f32 v13, v27  }
0x6e: {  	v31 =	vld [tilespmem:s31+$0x0]  }
0x6f: {  	[tilespmem:v24+s25+$0x0] =	vst.idx.add.f32.msk $0xffff, v13  }
0x70: {  	v13 =	vld.idx.msk [tilespmem:v28+s3+$0x0], $0xffff  }
0x71: {  	v28 =	vld [tilespmem:s30+$0xFFFFFFE0];
	v19 =	vmul.f32 v19, v29  }
0x72: {  	v32 =	vld [tilespmem:s30+$0xFFFFFFF0];
	v17 =	vmul.f32 v17, v30  }
0x73: {  	v34 =	vadd.s32 $0x2710, v24;
	v33 =	vld [tilespmem:s30+$0x0];
	v18 =	vmul.f32 v18, v31  }
0x74: {  	v35 =	vadd.s32 $0x4E20, v16;
	[tilespmem:v11+s25+$0x0] =	vst.idx.add.f32.msk $0xffff, v20  }
0x75: {  	v20 =	vld.idx.msk [tilespmem:v9+s3+$0x0], $0xffff;
	v9 =	vmov v12  }
0x76: {  	v37 =	vmul.f32 v13, v27;
	v36 =	vadd.s32 $0x2710, v28;
	v12 =	vadd.s32 $0x4E20, v28;
	v38 =	vld.idx.msk [tilespmem:v4+s3+$0x0], $0xffff;
	v4 =	vmovc v22  }
0x77: {  	v22 =	vadd.s32 $0x7530, v28;
	v39 =	vadd.s32 $0x2710, v32;
	v13 =	vadd.s32 $0x4E20, v32;
	v40 =	vld.idx.msk [tilespmem:v6+s3+$0x0], $0xffff;
	v6 =	vmovc v23  }
0x78: {  	v23 =	vadd.s32 $0x7530, v32;
	v41 =	vadd.s32 $0x2710, v33;
	v11 =	vadd.s32 $0x4E20, v33;
	[tilespmem:v34+s25+$0x0] =	vst.idx.add.f32.msk $0xffff, v37  }
0x79: {  	v34 =	vadd.s32 $0x7530, v33;
	v35 =	vld.idx.msk [tilespmem:v35+s3+$0x0], $0xffff  }
0x7a: {  	[tilespmem:v28+s25+$0x0] =	vst.idx.add.f32.msk $0xffff, v19  }
0x7b: {  	[tilespmem:v32+s25+$0x0] =	vst.idx.add.f32.msk $0xffff, v17;
	v17 =	vmul.f32 v20, v2;
	v2 =	vmov v29  }
0x7c: {  	v19 =	vmul.f32 v38, v1;
	v1 =	vmov v30;
	[tilespmem:v33+s25+$0x0] =	vst.idx.add.f32.msk $0xffff, v18;
	v18 =	vadd.s32 $0x4E20, v24  }
0x7d: {  	v16 =	vadd.s32 $0x7530, v16;
	v20 =	vld.idx.msk [tilespmem:v25+s3+$0x0], $0xffff;
	v25 =	vmul.f32 v40, v3;
	v3 =	vmov v31  }
0x7e: {  	v14 =	vld.idx.msk [tilespmem:v14+s3+$0x0], $0xffff  }
0x7f: {  	v28 =	vmul.f32 v35, v27;
	v15 =	vld.idx.msk [tilespmem:v15+s3+$0x0], $0xffff  }
0x80: {  	[tilespmem:v5+s25+$0x0] =	vst.idx.add.f32.msk $0xffff, v17;
	v5 =	vmov v22  }
0x81: {  	[tilespmem:v18+s25+$0x0] =	vst.idx.add.f32.msk $0xffff, v28  }
0x82: {  	v16 =	vld.idx.msk [tilespmem:v16+s3+$0x0], $0xffff  }
0x83: {  	v17 =	vmul.f32 v20, v2;
	[tilespmem:v7+s25+$0x0] =	vst.idx.add.f32.msk $0xffff, v19;
	v7 =	vmov v23  }
0x84: {  	v14 =	vmul.f32 v14, v1;
	[tilespmem:v8+s25+$0x0] =	vst.idx.add.f32.msk $0xffff, v25;
	v8 =	vmov v34  }
0x85: {  	v15 =	vmul.f32 v15, v3;
	[tilespmem:v36+s25+$0x0] =	vst.idx.add.f32.msk $0xffff, v17;
	v17 =	vadd.s32 $0x7530, v24  }
.Ltmp3:
0x86: {  	[tilespmem:v39+s25+$0x0] =	vst.idx.add.f32.msk $0xffff, v14;
	(pc) =	sbr.rel @p0 .LBB2_5-.Ltmp3, $4  }
0x87: {  	[tilespmem:v41+s25+$0x0] =	vst.idx.add.f32.msk $0xffff, v15  }
0x88: {  	v16 =	vmul.f32 v16, v27;
	v14 =	vld.idx.msk [tilespmem:v26+s3+$0x0], $0xffff  }
0x89: {  	v15 =	vld.idx.msk [tilespmem:v21+s3+$0x0], $0xffff  }
0x8a: {  	s1 =	sadd.s32 $0x40, s1;
	[tilespmem:v17+s25+$0x0] =	vst.idx.add.f32.msk $0xffff, v16  }
0x8b: {  	_ =	sdelay $0x3  }
0x8c: {  	v10 =	vld.idx.msk [tilespmem:v10+s3+$0x0], $0xffff  }
0x8d: {  	v14 =	vmul.f32 v14, v2  }
0x8e: {  	v15 =	vmul.f32 v15, v1  }
0x8f: {  	[tilespmem:v12+s25+$0x0] =	vst.idx.add.f32.msk $0xffff, v14  }
0x90: {  	[tilespmem:v13+s25+$0x0] =	vst.idx.add.f32.msk $0xffff, v15  }
0x91: {  	v10 =	vmul.f32 v10, v3;
	v9 =	vld.idx.msk [tilespmem:v9+s3+$0x0], $0xffff  }
0x92: {  	v4 =	vld.idx.msk [tilespmem:v4+s3+$0x0], $0xffff  }
0x93: {  	[tilespmem:v11+s25+$0x0] =	vst.idx.add.f32.msk $0xffff, v10  }
0x94: {  	v6 =	vld.idx.msk [tilespmem:v6+s3+$0x0], $0xffff;
	_ =	sdelay $0x2  }
0x95: {  	s30 =	sshll.u32 s29, $0x1;
	p0 =	seq.s32 s29, $0x13;
	v2 =	vmul.f32 v9, v2  }
0x96: {  	s0 =	sadd.s32 @!p0 s7, s30;
	v1 =	vmul.f32 v4, v1  }
0x97: {  	s0 =	sshll.u32 @!p0 s0, $0x9;
	[tilespmem:v5+s25+$0x0] =	vst.idx.add.f32.msk $0xffff, v2;
	v3 =	vmul.f32 v6, v3  }
0x98: {  	s0 =	sadd.s32 @!p0 $0x400, s0;
	[tilespmem:v7+s25+$0x0] =	vst.idx.add.f32.msk $0xffff, v1  }
0x99: {  	s17 =	simm.s32 @!p0 $0x0;
	s31 =	simm.s32 @!p0 $0x13880;
	s1 =	sadd.s32 @!p0 s2, s0;
	[tilespmem:v8+s25+$0x0] =	vst.idx.add.f32.msk $0xffff, v3  }
0x9a: {  	[tilespmem:s31], [sflag:$0x2] =	stream.linear.gather @!p0 [hbm4b:s1+s17], $0x1000, $0x38;
	[tilespmem:$0x19880] =	vst v63  }
0x9b: {  	s1 =	sadd.s32 @!p0 s4, s0;
	s31 =	simm.s32 @!p0 $0x15880  }
0x9c: {  	[tilespmem:s31], [sflag:$0x2] =	stream.linear.gather @!p0 [hbm4b:s1+s17], $0x1000, $0x38;
	[tilespmem:$0x19880] =	vst v63  }
0x9d: {  	s0 =	sadd.s32 @!p0 s5, s0;
	s1 =	simm.s32 @!p0 $0x17880  }
0x9e: {  	[tilespmem:s1], [sflag:$0x2] =	stream.linear.gather @!p0 [hbm4b:s0+s17], $0x1000, $0x38;
	[tilespmem:$0x19880] =	vst v63  }
0x9f: {  	_ =	swait.ge [sflag:s26], $0x1000  }
0xa0: {  	[sflag:s26] =	ssyncset.done $0x0  }
0xa1: {  	[sflag:s26] =	ssyncadd.s32 $0xFFFFF000  }
0xa2: {  	_ =	swait.ge [sflag:s26], $0x1000  }
0xa3: {  	[sflag:s26] =	ssyncset.done $0x0  }
0xa4: {  	[sflag:s26] =	ssyncadd.s32 $0xFFFFF000  }
0xa5: {  	_ =	swait.ge [sflag:s26], $0x1000  }
0xa6: {  	[sflag:s26] =	ssyncset.done $0x0  }
0xa7: {  	s17 =	simm.s32 $0x148A0;
	[sflag:s26] =	ssyncadd.s32 $0xFFFFF000  }
0xa8: {  	v4 =	vld [tilespmem:s17+$0x10];
	_ =	sdelay $0x3  }
0xa9: {  	v5 =	vld [tilespmem:s17+$0xFFFFFFF0]  }
0xaa: {  	s31 =	simm.s32 $0x168A0;
	v6 =	vld [tilespmem:s17+$0xFFFFFFE0]  }
0xab: {  	s0 =	simm.s32 $0x188A0;
	v8 =	vld [tilespmem:s31+$0x10]  }
0xac: {  	v9 =	vld [tilespmem:s0+$0x10]  }
0xad: {  	v2 =	vld.idx.msk [tilespmem:v4+s3+$0x0], $0xffff  }
0xae: {  	v7 =	vld [tilespmem:s17+$0x0]  }
0xaf: {  	v1 =	vld [tilespmem:s0+$0xFFFFFFE0]  }
0xb0: {  	v15 =	vld [tilespmem:s31+$0xFFFFFFE0];
	v3 =	vadd.s32 $0x2710, v4  }
0xb1: {  	v16 =	vld [tilespmem:s31+$0xFFFFFFF0]  }
0xb2: {  	v17 =	vld [tilespmem:s31+$0x0];
	v13 =	vmul.f32 v2, v9  }
0xb3: {  	v11 =	vld.idx.msk [tilespmem:v6+s3+$0x0], $0xffff  }
0xb4: {  	[tilespmem:v8+s25+$0x0] =	vst.idx.add.f32.msk $0xffff, v13  }
0xb5: {  	v13 =	vld.idx.msk [tilespmem:v3+s3+$0x0], $0xffff  }
0xb6: {  	v10 =	vld.idx.msk [tilespmem:v5+s3+$0x0], $0xffff  }
0xb7: {  	v14 =	vadd.s32 $0x2710, v8;
	v12 =	vld.idx.msk [tilespmem:v7+s3+$0x0], $0xffff  }
0xb8: {  	v18 =	vadd.s32 $0x4E20, v4;
	v2 =	vld [tilespmem:s0+$0xFFFFFFF0]  }
0xb9: {  	v19 =	vadd.s32 $0x2710, v6;
	v11 =	vmul.f32 v11, v1;
	v3 =	vld [tilespmem:s0+$0x0]  }
0xba: {  	v13 =	vmul.f32 v13, v9  }
0xbb: {  	[tilespmem:v15+s25+$0x0] =	vst.idx.add.f32.msk $0xffff, v11  }
0xbc: {  	[tilespmem:v14+s25+$0x0] =	vst.idx.add.f32.msk $0xffff, v13;
	v13 =	vadd.s32 $0x2710, v5  }
0xbd: {  	v60 =	vadd.s32 $0x2710, v7;
	v10 =	vmul.f32 v10, v2;
	v14 =	vld.idx.msk [tilespmem:v18+s3+$0x0], $0xffff  }
0xbe: {  	v11 =	vld.idx.msk [tilespmem:v19+s3+$0x0], $0xffff;
	v12 =	vmul.f32 v12, v3  }
0xbf: {  	[tilespmem:v16+s25+$0x0] =	vst.idx.add.f32.msk $0xffff, v10;
	v10 =	vadd.s32 $0x4E20, v8  }
0xc0: {  	v4 =	vadd.s32 $0x7530, v4;
	[tilespmem:v17+s25+$0x0] =	vst.idx.add.f32.msk $0xffff, v12  }
0xc1: {  	v12 =	vld.idx.msk [tilespmem:v13+s3+$0x0], $0xffff  }
0xc2: {  	v18 =	vld.idx.msk [tilespmem:v60+s3+$0x0], $0xffff;
	v13 =	vadd.s32 $0x2710, v15;
	v14 =	vmul.f32 v14, v9  }
0xc3: {  	v61 =	vadd.s32 $0x2710, v16  }
0xc4: {  	v20 =	vadd.s32 $0x2710, v17;
	[tilespmem:v10+s25+$0x0] =	vst.idx.add.f32.msk $0xffff, v14  }
0xc5: {  	v14 =	vadd.s32 $0x4E20, v6;
	v21 =	vld.idx.msk [tilespmem:v4+s3+$0x0], $0xffff;
	v4 =	vmul.f32 v11, v1  }
0xc6: {  	v11 =	vadd.s32 $0x4E20, v5;
	v10 =	vmul.f32 v12, v2  }
0xc7: {  	v62 =	vadd.s32 $0x7530, v8;
	v12 =	vmul.f32 v18, v3;
	[tilespmem:v13+s25+$0x0] =	vst.idx.add.f32.msk $0xffff, v4  }
0xc8: {  	[tilespmem:v61+s25+$0x0] =	vst.idx.add.f32.msk $0xffff, v10  }
0xc9: {  	v8 =	vadd.s32 $0x7530, v16;
	v4 =	vadd.s32 $0x7530, v5;
	[tilespmem:v20+s25+$0x0] =	vst.idx.add.f32.msk $0xffff, v12  }
0xca: {  	v5 =	vadd.s32 $0x7530, v7;
	v10 =	vadd.s32 $0x4E20, v7;
	v14 =	vld.idx.msk [tilespmem:v14+s3+$0x0], $0xffff;
	v63 =	vmul.f32 v21, v9  }
0xcb: {  	v7 =	vadd.s32 $0x7530, v6;
	v12 =	vadd.s32 $0x4E20, v15;
	v6 =	vadd.s32 $0x7530, v15;
	v15 =	vld.idx.msk [tilespmem:v11+s3+$0x0], $0xffff  }
0xcc: {  	s1 =	simm.s32 $0x0;
	s17 =	simm.s32 $0x148E0;
	v13 =	vadd.s32 $0x4E20, v16;
	v11 =	vadd.s32 $0x4E20, v17;
	v9 =	vadd.s32 $0x7530, v17;
	[tilespmem:v62+s25+$0x0] =	vst.idx.add.f32.msk $0xffff, v63  }
.LBB2_7:
0xcd: {  	v16 =	vld [tilespmem:s17+$0x10];
	s1 =	sadd.s32 $0x40, s1  }
0xce: {  	v17 =	vld [tilespmem:s17+$0xFFFFFFF0];
	p1 =	slt.u32 s1, $0xFC0  }
0xcf: {  	v18 =	vld [tilespmem:s17+$0x0]  }
0xd0: {  	v14 =	vmul.f32 v14, v1;
	v19 =	vld [tilespmem:s17+$0xFFFFFFE0]  }
0xd1: {  	v15 =	vmul.f32 v15, v2;
	v20 =	vld.idx.msk [tilespmem:v10+s3+$0x0], $0xffff  }
0xd2: {  	[tilespmem:v12+s25+$0x0] =	vst.idx.add.f32.msk $0xffff, v14  }
0xd3: {  	s31 =	sadd.s32 $0x40, s31;
	v14 =	vadd.s32 $0x2710, v17;
	v21 =	vadd.s32 $0x4E20, v17;
	v22 =	vadd.s32 $0x7530, v17;
	[tilespmem:v13+s25+$0x0] =	vst.idx.add.f32.msk $0xffff, v15  }
0xd4: {  	v15 =	vadd.s32 $0x2710, v18;
	v10 =	vadd.s32 $0x4E20, v18;
	v23 =	vadd.s32 $0x7530, v18;
	v24 =	vld [tilespmem:s31+$0x10]  }
0xd5: {  	s0 =	sadd.s32 $0x40, s0;
	v25 =	vadd.s32 $0x2710, v19;
	v26 =	vadd.s32 $0x4E20, v19;
	v12 =	vadd.s32 $0x7530, v19;
	v13 =	vld.idx.msk [tilespmem:v16+s3+$0x0], $0xffff  }
0xd6: {  	v27 =	vld [tilespmem:s0+$0x10]  }
0xd7: {  	v20 =	vmul.f32 v20, v3;
	v17 =	vld.idx.msk [tilespmem:v17+s3+$0x0], $0xffff  }
0xd8: {  	v19 =	vld.idx.msk [tilespmem:v19+s3+$0x0], $0xffff  }
0xd9: {  	v28 =	vadd.s32 $0x2710, v16;
	v18 =	vld.idx.msk [tilespmem:v18+s3+$0x0], $0xffff  }
0xda: {  	v29 =	vld [tilespmem:s0+$0xFFFFFFE0]  }
0xdb: {  	v30 =	vld [tilespmem:s0+$0xFFFFFFF0];
	v13 =	vmul.f32 v13, v27  }
0xdc: {  	v31 =	vld [tilespmem:s0+$0x0]  }
0xdd: {  	[tilespmem:v24+s25+$0x0] =	vst.idx.add.f32.msk $0xffff, v13  }
0xde: {  	v13 =	vld.idx.msk [tilespmem:v28+s3+$0x0], $0xffff  }
0xdf: {  	v28 =	vld [tilespmem:s31+$0xFFFFFFE0];
	v19 =	vmul.f32 v19, v29  }
0xe0: {  	v32 =	vld [tilespmem:s31+$0xFFFFFFF0];
	v17 =	vmul.f32 v17, v30  }
0xe1: {  	v34 =	vadd.s32 $0x2710, v24;
	v33 =	vld [tilespmem:s31+$0x0];
	v18 =	vmul.f32 v18, v31  }
0xe2: {  	v35 =	vadd.s32 $0x4E20, v16;
	[tilespmem:v11+s25+$0x0] =	vst.idx.add.f32.msk $0xffff, v20  }
0xe3: {  	v20 =	vld.idx.msk [tilespmem:v7+s3+$0x0], $0xffff;
	v7 =	vmov v12  }
0xe4: {  	v37 =	vmul.f32 v13, v27;
	v36 =	vadd.s32 $0x2710, v28;
	v12 =	vadd.s32 $0x4E20, v28;
	v38 =	vld.idx.msk [tilespmem:v4+s3+$0x0], $0xffff;
	v4 =	vmovc v22  }
0xe5: {  	v22 =	vadd.s32 $0x7530, v28;
	v39 =	vadd.s32 $0x2710, v32;
	v13 =	vadd.s32 $0x4E20, v32;
	v40 =	vld.idx.msk [tilespmem:v5+s3+$0x0], $0xffff;
	v5 =	vmovc v23  }
0xe6: {  	v23 =	vadd.s32 $0x7530, v32;
	v41 =	vadd.s32 $0x2710, v33;
	v11 =	vadd.s32 $0x4E20, v33;
	[tilespmem:v34+s25+$0x0] =	vst.idx.add.f32.msk $0xffff, v37  }
0xe7: {  	v34 =	vadd.s32 $0x7530, v33;
	v35 =	vld.idx.msk [tilespmem:v35+s3+$0x0], $0xffff  }
0xe8: {  	[tilespmem:v28+s25+$0x0] =	vst.idx.add.f32.msk $0xffff, v19  }
0xe9: {  	[tilespmem:v32+s25+$0x0] =	vst.idx.add.f32.msk $0xffff, v17;
	v17 =	vmul.f32 v20, v1;
	v1 =	vmov v29  }
0xea: {  	v19 =	vmul.f32 v38, v2;
	v2 =	vmov v30;
	[tilespmem:v33+s25+$0x0] =	vst.idx.add.f32.msk $0xffff, v18;
	v18 =	vadd.s32 $0x4E20, v24  }
0xeb: {  	v16 =	vadd.s32 $0x7530, v16;
	v20 =	vld.idx.msk [tilespmem:v25+s3+$0x0], $0xffff;
	v25 =	vmul.f32 v40, v3;
	v3 =	vmov v31  }
0xec: {  	v14 =	vld.idx.msk [tilespmem:v14+s3+$0x0], $0xffff  }
0xed: {  	v28 =	vmul.f32 v35, v27;
	v15 =	vld.idx.msk [tilespmem:v15+s3+$0x0], $0xffff  }
0xee: {  	[tilespmem:v6+s25+$0x0] =	vst.idx.add.f32.msk $0xffff, v17;
	v6 =	vmov v22  }
0xef: {  	[tilespmem:v18+s25+$0x0] =	vst.idx.add.f32.msk $0xffff, v28  }
0xf0: {  	v16 =	vld.idx.msk [tilespmem:v16+s3+$0x0], $0xffff  }
0xf1: {  	v17 =	vmul.f32 v20, v1;
	[tilespmem:v8+s25+$0x0] =	vst.idx.add.f32.msk $0xffff, v19;
	v8 =	vmov v23  }
0xf2: {  	v14 =	vmul.f32 v14, v2;
	[tilespmem:v9+s25+$0x0] =	vst.idx.add.f32.msk $0xffff, v25;
	v9 =	vmov v34  }
0xf3: {  	v15 =	vmul.f32 v15, v3;
	[tilespmem:v36+s25+$0x0] =	vst.idx.add.f32.msk $0xffff, v17;
	v17 =	vadd.s32 $0x7530, v24  }
.Ltmp4:
0xf4: {  	[tilespmem:v39+s25+$0x0] =	vst.idx.add.f32.msk $0xffff, v14;
	(pc) =	sbr.rel @p1 .LBB2_7-.Ltmp4, $4  }
0xf5: {  	[tilespmem:v41+s25+$0x0] =	vst.idx.add.f32.msk $0xffff, v15  }
0xf6: {  	v16 =	vmul.f32 v16, v27;
	v14 =	vld.idx.msk [tilespmem:v26+s3+$0x0], $0xffff  }
0xf7: {  	v15 =	vld.idx.msk [tilespmem:v21+s3+$0x0], $0xffff  }
0xf8: {  	s17 =	sadd.s32 $0x40, s17;
	[tilespmem:v17+s25+$0x0] =	vst.idx.add.f32.msk $0xffff, v16  }
0xf9: {  	_ =	sdelay $0x3  }
0xfa: {  	v10 =	vld.idx.msk [tilespmem:v10+s3+$0x0], $0xffff  }
0xfb: {  	v14 =	vmul.f32 v14, v1  }
0xfc: {  	v15 =	vmul.f32 v15, v2  }
0xfd: {  	[tilespmem:v12+s25+$0x0] =	vst.idx.add.f32.msk $0xffff, v14  }
0xfe: {  	[tilespmem:v13+s25+$0x0] =	vst.idx.add.f32.msk $0xffff, v15  }
0xff: {  	v10 =	vmul.f32 v10, v3;
	v7 =	vld.idx.msk [tilespmem:v7+s3+$0x0], $0xffff  }
0x100: {  	v4 =	vld.idx.msk [tilespmem:v4+s3+$0x0], $0xffff  }
0x101: {  	[tilespmem:v11+s25+$0x0] =	vst.idx.add.f32.msk $0xffff, v10  }
0x102: {  	v5 =	vld.idx.msk [tilespmem:v5+s3+$0x0], $0xffff;
	_ =	sdelay $0x2  }
.Ltmp5:
0x103: {  	v1 =	vmul.f32 v7, v1;
	(pc) =	sbr.rel @p0 .LBB2_10-.Ltmp5, $4  }
0x104: {  	v2 =	vmul.f32 v4, v2  }
0x105: {  	[tilespmem:v6+s25+$0x0] =	vst.idx.add.f32.msk $0xffff, v1;
	v3 =	vmul.f32 v5, v3  }
0x106: {  	[tilespmem:v8+s25+$0x0] =	vst.idx.add.f32.msk $0xffff, v2  }
0x107: {  	[tilespmem:v9+s25+$0x0] =	vst.idx.add.f32.msk $0xffff, v3  }
0x108: {  	s0 =	sadd.s32 s30, s14  }
0x109: {  	s0 =	sshll.u32 s0, $0x9  }
0x10a: {  	s0 =	sadd.s32 $0x400, s0  }
0x10b: {  	s1 =	sadd.s32 s2, s0  }
0x10c: {  	[tilespmem:s20], [sflag:$0x3] =	stream.linear.gather [hbm4b:s1+s3], $0x1000, $0x38;
	[tilespmem:$0x19880] =	vst v63  }
.Ltmp6:
0x10d: {  	_ = 	snop;
	(pc) =	sbr.rel .LBB2_4-.Ltmp6, $4  }
0x10e: {  	s31 =	sadd.s32 s4, s0  }
0x10f: {  	[tilespmem:s21], [sflag:$0x3] =	stream.linear.gather [hbm4b:s31+s3], $0x1000, $0x38;
	[tilespmem:$0x19880] =	vst v63  }
0x110: {  	s29 =	sadd.s32 $0x1, s29;
	s0 =	sadd.s32 s5, s0  }
0x111: {  	[tilespmem:s22], [sflag:$0x3] =	stream.linear.gather [hbm4b:s0+s3], $0x1000, $0x38;
	[tilespmem:$0x19880] =	vst v63  }
.LBB2_11:
0x112: {  	_ =	sfence.sel $0x180000  }
0x113: {  	[bflag:$0x0] =	sbarrier.arrive $0xFFFF  }
0x114: {  	_ =	strace $0x9000004A  }
0x115: {  	s0 =	stileid.u32;
	[bflag:$0x2] =	sbarrier.arrive $0xFFFF  }
0x116: {  	p0 =	sne.s32 s0, $0x0;
	s0 =	rddreg [dreg:$0x2]  }
0x117: {  	s0 =	sadd.s32 @!p0 $0x100000, s0  }
0x118: {  	[sflag:s0] =	ssyncadd.tile.s32 @!p0 $0x1;
	_ =	shalt  }
.Lfunc_end2:
_tile_overlayer_lowered:
.L_overlay_start_2:
0x119: {  	(tag) =	ssettag $0x2  }
0x11a: {  	s0 =	rddreg [dreg:$0x0];
	s2 =	stileid.u32  }
0x11b: {  	s1 =	rddreg [dreg:$0x1];
	p0 =	sne.s32 s2, $0x0  }
0x11c: {  	s3 =	rddreg [dreg:$0x2];
	[bflag:$0x3] =	sbarrier.arrive $0xFFFF;
	s2 =	simm.s32 @!p0 $0x1C04  }
0x11d: {  	[timem:s3], [sflag:s2] =	dma.local @!p0 [hbm:s0], s1  }
0x11e: {  	s0 =	simm.s32 @!p0 $0x4  }
0x11f: {  	_ =	swait.ge @!p0 [sflag:s0], s1  }
0x120: {  	s1 =	ssub.s32 @!p0 $0x0, s1;
	[sflag:s0] =	ssyncset.done @!p0 $0x0  }
0x121: {  	[sflag:s0] =	ssyncadd.s32 @!p0 s1  }
0x122: {  	[bflag:$0x3] =	sbarrier.arrive $0xFFFF  }
0x123: {  	_ =	shalt  }

// kernel: kernel.15.cloned.1.call-start
scs
__scs_entry_jumppad:
0x0: {  	(pc) =	sbr.rel $0x88, $3  }
0x1: {  	(tag) =	ssettag $0x0;
	lr =	simm.s32 $0x1  }
0x2: {  	[smem:$0x3F9A] =	sst lr;
	_ =	strace $0xD0000000  }
0x3: {  	_ = 	snop  }
0x4: {  	_ = 	snop  }
0x5: {  	_ = 	snop  }
0x6: {  	_ = 	snop  }
0x7: {  	_ = 	snop  }
__scs_overlays_trampoline_lowered:
0x8: {  	[smem:$0x3FA9] =	sst s0  }
0x9: {  	[smem:$0x3FAA] =	sst s1  }
0xa: {  	[smem:$0x3FAB] =	sst s2  }
0xb: {  	[smem:$0x3FAC] =	sst s3  }
0xc: {  	[smem:$0x3FAD] =	sst s4  }
0xd: {  	[smem:$0x3FAE] =	sst s5  }
0xe: {  	[smem:$0x3FAF] =	sst s6  }
0xf: {  	[smem:$0x3FB0] =	sst s7  }
0x10: {  	[smem:$0x3FB1] =	sst s8  }
0x11: {  	[smem:$0x3FB2] =	sst s9;
	s0 =	simm.s32 @!p0 $0x0  }
0x12: {  	s1 =	sld [smem:$0x3F98];
	s0 =	simm.s32 @p0 $0x1  }
0x13: {  	[smem:$0x3FB3] =	sst s0;
	s0 =	simm.s32 @!p1 $0x0  }
0x14: {  	s2 =	sld [smem:$0x3F97];
	s0 =	simm.s32 @p1 $0x1  }
0x15: {  	[smem:$0x3FB4] =	sst s0;
	s0 =	simm.s32 @!p2 $0x0  }
0x16: {  	s3 =	sld [smem:$0x3FDB];
	s0 =	simm.s32 @p2 $0x1  }
0x17: {  	s4 =	simm.s32 $0x1BF5;
	[smem:$0x3FB6] =	sst s0  }
0x18: {  	s0 =	sld [smem:$0x3F99];
	_ =	swait.ge [sflag:s4], $0x0  }
0x19: {  	s7 =	sld [smem:$0x3F9A]  }
0x1a: {  	s8 =	sadd.s32 $0xFFFFE003, lr  }
0x1b: {  	s9 =	sadd.s32 $0xFFFFFEF7, lr;
	s5 =	simm.s32 $0xFFFFFFFF;
	p2 =	slt.u32 s8, $0xFFFFF086  }
0x1c: {  	p1 =	slt.u32 s9, $0xF7A;
	s5 =	simm.s32 @!p2 $0x0  }
0x1d: {  	s5 =	simm.s32 @p1 $0x1;
	p0 =	seq.s32 s7, s2  }
0x1e: {  	s7 =	smul.u32 @!p0 $0xF7A, s2;
	p2 =	seq.s32 @!p0 s5, $0x0  }
0x1f: {  	s9 =	smul.u32 $0xF7A, s1;
	s8 =	simm.s32 @!p0 $0x1BF5;
	p2 =	por !p2, p0  }
0x20: {  	[sflag:s8] =	ssyncset.s32 @!p0 $0xFFFFF086;
	s6 =	sadd.s32 @!p0 s3, s7;
	s7 =	simm.s32 @!p0 $0x108  }
0x21: {  	s3 =	sadd.s32 s3, s9;
	s6 =	sadd.s32 @!p0 $0x88, s6;
	s7 =	simm.s32 @p2 $0x1082  }
0x22: {  	[simem:s7], [sflag:s8] =	dma.local @!p0 [hbm:s6], $0xF7A  }
0x23: {  	s9 =	sor.u32 $0xD0000000, s2;
	s6 =	simm.s32 $0x108;
	_ =	swait.ge @!p0 [sflag:s8], $0x0  }
0x24: {  	s3 =	sadd.s32 $0x88, s3;
	s6 =	simm.s32 @!p1 $0x1082;
	[sflag:s4] =	ssyncset.s32 $0xFFFFF086  }
0x25: {  	[simem:s6], [sflag:s4] =	dma.local [hbm:s3], $0xF7A  }
0x26: {  	[smem:$0x3F9A] =	sst s1;
	(tag) =	ssettag s2;
	_ =	strace s9  }
0x27: {  	s1 =	sld [smem:$0x3FAA]  }
0x28: {  	s2 =	sld [smem:$0x3FAB]  }
0x29: {  	s4 =	sld [smem:$0x3FAD]  }
0x2a: {  	p0 =	seq.s32 s5, $0x0;
	s5 =	sld [smem:$0x3FAE]  }
0x2b: {  	s6 =	sld [smem:$0x3FAF]  }
0x2c: {  	s7 =	sld [smem:$0x3FB0]  }
0x2d: {  	s3 =	simm.s32 $0x108;
	s8 =	sld [smem:$0x3FB1]  }
0x2e: {  	s3 =	simm.s32 @!p0 $0x1082;
	s9 =	sld [smem:$0x3FB2]  }
0x2f: {  	lr =	sadd.s32 s0, s3;
	s0 =	sld [smem:$0x3FA9]  }
0x30: {  	s3 =	sld [smem:$0x3FAC]  }
0x31: {  	[smem:$0x3FB5] =	sst s10  }
0x32: {  	s10 =	sld [smem:$0x3FB3];
	_ =	sdelay $0x3  }
0x33: {  	p0 =	seq.s32 s10, $0x1;
	s10 =	sld [smem:$0x3FB5];
	_ =	sdelay $0x3  }
0x34: {  	[smem:$0x3FB5] =	sst s10  }
0x35: {  	s10 =	sld [smem:$0x3FB4];
	_ =	sdelay $0x3  }
0x36: {  	p1 =	seq.s32 s10, $0x1;
	s10 =	sld [smem:$0x3FB5];
	_ =	sdelay $0x3  }
0x37: {  	[smem:$0x3FB5] =	sst s10  }
0x38: {  	s10 =	sld [smem:$0x3FB6]  }
0x39: {  	_ = 	snop;
	(pc) =	sbr.ind lr, $3  }
0x3a: {  	_ = 	snop  }
0x3b: {  	_ = 	snop  }
0x3c: {  	p2 =	seq.s32 s10, $0x1;
	s10 =	sld [smem:$0x3FB5]  }
0x3d: {  	_ =	shalt  }
0x3e: {  	_ =	shalt  }
0x3f: {  	_ =	shalt  }
0x40: {  	_ =	shalt  }
0x41: {  	_ =	shalt  }
0x42: {  	_ =	shalt  }
0x43: {  	_ =	shalt  }
0x44: {  	_ =	shalt  }
0x45: {  	_ =	shalt  }
0x46: {  	_ =	shalt  }
0x47: {  	_ =	shalt  }
0x48: {  	_ =	shalt  }
0x49: {  	_ =	shalt  }
0x4a: {  	_ =	shalt  }
0x4b: {  	_ =	shalt  }
0x4c: {  	_ =	shalt  }
0x4d: {  	_ =	shalt  }
0x4e: {  	_ =	shalt  }
0x4f: {  	_ =	shalt  }
0x50: {  	_ =	shalt  }
0x51: {  	_ =	shalt  }
0x52: {  	_ =	shalt  }
0x53: {  	_ =	shalt  }
0x54: {  	_ =	shalt  }
0x55: {  	_ =	shalt  }
0x56: {  	_ =	shalt  }
0x57: {  	_ =	shalt  }
0x58: {  	_ =	shalt  }
0x59: {  	_ =	shalt  }
0x5a: {  	_ =	shalt  }
0x5b: {  	_ =	shalt  }
0x5c: {  	_ =	shalt  }
0x5d: {  	_ =	shalt  }
0x5e: {  	_ =	shalt  }
0x5f: {  	_ =	shalt  }
0x60: {  	_ =	shalt  }
0x61: {  	_ =	shalt  }
0x62: {  	_ =	shalt  }
0x63: {  	_ =	shalt  }
0x64: {  	_ =	shalt  }
0x65: {  	_ =	shalt  }
0x66: {  	_ =	shalt  }
0x67: {  	_ =	shalt  }
0x68: {  	_ =	shalt  }
0x69: {  	_ =	shalt  }
0x6a: {  	_ =	shalt  }
0x6b: {  	_ =	shalt  }
0x6c: {  	_ =	shalt  }
0x6d: {  	_ =	shalt  }
0x6e: {  	_ =	shalt  }
0x6f: {  	_ =	shalt  }
0x70: {  	_ =	shalt  }
0x71: {  	_ =	shalt  }
0x72: {  	_ =	shalt  }
0x73: {  	_ =	shalt  }
0x74: {  	_ =	shalt  }
0x75: {  	_ =	shalt  }
0x76: {  	_ =	shalt  }
0x77: {  	_ =	shalt  }
0x78: {  	_ =	shalt  }
0x79: {  	_ =	shalt  }
0x7a: {  	_ =	shalt  }
0x7b: {  	_ =	shalt  }
0x7c: {  	_ =	shalt  }
0x7d: {  	_ =	shalt  }
0x7e: {  	_ =	shalt  }
0x7f: {  	_ =	shalt  }
0x80: {  	_ =	shalt  }
0x81: {  	_ =	shalt  }
0x82: {  	_ =	shalt  }
0x83: {  	_ =	shalt  }
0x84: {  	_ =	shalt  }
0x85: {  	_ =	shalt  }
0x86: {  	_ =	shalt  }
0x87: {  	_ =	shalt  }
.Lfunc_end0:
.L_simem_size_0:
called_computation.2_lowered:
.L_overlay_start_0:
0x88: {  	s2 =	sld [smem:$0x3FD9]  }
0x89: {  	s3 =	sld [smem:$0x3FFE];
	_ =	sdelay $0x1  }
0x8a: {  	s1 =	srdreg.scid  }
0x8b: {  	s0 =	sand.u32 $0x1, s1  }
0x8c: {  	s17 =	sshll.u32 s0, $0xA;
	s2 =	sadd.s32 s3, s2  }
0x8d: {  	s2 =	sadd.s32 s2, s17  }
0x8e: {  	[smem:$0x3FC1] =	sst s2  }
0x8f: {  	_ = 	snop  }
0x90: {  	s2 =	sld [smem:$0x3FD0];
	(tm) =	ssettm $0x1  }
0x91: {  	s18 =	sld [smem:$0x3FFB];
	_ =	sdelay $0x3  }
0x92: {  	_ =	strace s18  }
0x93: {  	s3 =	sld [smem:$0x3FFC];
	_ =	sdelay $0x3  }
0x94: {  	_ =	strace s3  }
0x95: {  	s3 =	sld [smem:$0x3FFD];
	_ =	sdelay $0x3  }
0x96: {  	_ =	strace s3  }
0x97: {  	_ =	strace $0x8FFFFFFF  }
0x98: {  	s19 =	sld [smem:$0x3FDB];
	_ =	sdelay $0x1  }
0x99: {  	s4 =	simm.s32 $_scs_section_size  }
0x9a: {  	s5 =	simm.s32 $_size__tile_overlayer_lowered;
	s6 =	simm.s32 $_tile_overlayer_lowered  }
0x9b: {  	s22 =	simm.s32 $0x1BFF;
	s21 =	sshll.u32 s6, $0x1;
	s3 =	sadd.s32 s4, s19  }
0x9c: {  	s7 =	simm.s32 $0x0;
	s20 =	sshll.u32 s5, $0x1;
	s5 =	sadd.s32 s21, s3  }
0x9d: {  	[timem:s7], [sflag:s22] =	dma.local [hbm:s5], s20  }
0x9e: {  	_ =	swait.ge [sflag:s22], s20  }
0x9f: {  	s4 =	ssub.s32 $0x0, s20;
	[sflag:s22] =	ssyncset.done $0x0  }
0xa0: {  	[sflag:s22] =	ssyncadd.s32 s4;
	_ =	sdelay $0x1  }
0xa1: {  	s23 =	simm.s32 $0x1B8B  }
0xa2: {  	_ =	swait.ge [sflag:s23], $0x1  }
0xa3: {  	[sflag:s23] =	ssyncset.done $0x0  }
0xa4: {  	s25 =	simm.s32 $0x1B8E;
	s24 =	sld [smem:$0x3FFE];
	[sflag:s23] =	ssyncadd.s32 $0xFFFFFFFF  }
0xa5: {  	s26 =	simm.s32 $execute0_lowered;
	[smem:$0x3FD2] =	sst s25  }
0xa6: {  	s5 =	sshll.u32 s26, $0x1;
	_ =	strace $0x8000004C;
	[dreg:$0x1] =	wrdreg $0xFFFFFFFF  }
0xa7: {  	s28 =	simm.s32 $_size_execute0_lowered;
	s3 =	sadd.s32 s3, s5;
	[dreg:$0x0] =	wrdreg $0x0  }
0xa8: {  	s5 =	sshll.u32 s28, $0x1;
	[dreg:$0x2] =	wrdreg s3  }
0xa9: {  	[dreg:$0x3] =	wrdreg s5  }
0xaa: {  	[dreg:$0x4] =	wrdreg $0xC0  }
0xab: {  	_ =	task [dreg:s7], $0x5FFFF  }
0xac: {  	[dreg:$0x1] =	wrdreg $0xFFFFFFFF  }
0xad: {  	[dreg:$0x0] =	wrdreg $0x60  }
0xae: {  	[dreg:$0x2] =	wrdreg s24  }
0xaf: {  	[dreg:$0x3] =	wrdreg s2  }
0xb0: {  	[dreg:$0x4] =	wrdreg $0x9  }
0xb1: {  	_ =	task.clear_ibuf [dreg:s7], $0x5FFFF;
	_ =	strace $0x9000004C  }
0xb2: {  	s29 =	simm.s32 $0x9;
	_ =	strace $0x8000004E  }
0xb3: {  	_ =	swait.ge [sflag:s29], $0x1  }
0xb4: {  	[sflag:s29] =	ssyncadd.s32 $0xFFFFFFFF  }
0xb5: {  	_ =	strace $0x9000004E  }
0xb6: {  	_ =	sfence  }
0xb7: {  	s30 =	sld [smem:$0x0];
	_ =	sdelay $0x2  }
0xb8: {  	s31 =	sshll.u32 s1, $0xD;
	s1 =	sshrl.u32 s1, $0x2  }
0xb9: {  	s3 =	sand.u32 $0x4000, s31;
	s1 =	sadd.s32 s1, s30  }
0xba: {  	s0 =	sor.u32 s3, s0;
	s1 =	sshll.u32 s1, $0x11  }
0xbb: {  	s0 =	sor.u32 s1, s0  }
0xbc: {  	s0 =	sadd.s32 $0x8F2B, s0  }
0xbd: {  	[sflag:s0] =	ssyncadd.remote.s32 $0x1  }
0xbe: {  	_ =	sfence.sel $0xFFFF  }
0xbf: {  	[dreg:$0x0] =	wrdreg $0xFFFFFFFF;
	(pc) =	sbr.abs _section_cstart, $3  }
0xc0: {  	[dreg:$0x1] =	wrdreg $0xFFFFFFFF  }
0xc1: {  	_ =	task.clear_ibuf [dreg:s7], $0x2FFFF;
	_ =	strace $0x9FFFFFFF  }
0xc2: {  	(tm) =	ssettm $0x7FFFFFFF  }
0xc3: {  	_ =	shalt  }
tec
execute0_lowered:
.L_overlay_start_1:
0x0: {  	(tag) =	ssettag $0x1  }
0x1: {  	s0 =	rddreg [dreg:$0x0]  }
0x2: {  	s2 =	rddreg [dreg:$0x1]  }
0x3: {  	s1 =	srdreg.scid;
	s6 =	stileid.u32  }
0x4: {  	s3 =	simm.s32 $0x0;
	s18 =	simm.s32 $0x10A60;
	s19 =	simm.s32 $0x12A60  }
0x5: {  	s20 =	simm.s32 $0xFA60;
	s21 =	simm.s32 $0x11A60;
	s22 =	simm.s32 $0x13A60  }
0x6: {  	s23 =	simm.s32 $0x1;
	s24 =	simm.s32 $0x2;
	s25 =	simm.s32 $0x7530  }
0x7: {  	s26 =	simm.s32 $0x3;
	s28 =	simm.s32 $0x0;
	s1 =	sand.u32 $0x1, s1  }
0x8: {  	s4 =	smul.u32 $0xEA6, s6;
	[smem:$0x7FF] =	sst s3;
	s5 =	sshll.u32 s1, $0x4  }
0x9: {  	_ =	strace $0x8000004D;
	s8 =	ssub.s32 $0x2, s1;
	s10 =	smul.u32 $0x5000, s1  }
0xa: {  	s5 =	sor.u32 s6, s5;
	s29 =	sadd.s32 s4, s0;
	s4 =	sadd.s32 $0xBA00, s0  }
0xb: {  	s30 =	sshrl.u32 s8, $0x1;
	s7 =	smul.u32 $0xEA6, s5;
	s5 =	sadd.s32 $0x1A00, s0  }
.Ltmp0:
0xc: {  	s16 =	ssub.s32 s8, s30;
	s6 =	sadd.s32 $0x15A00, s29;
	(pc) =	sbr.rel .LBB2_1-.Ltmp0, $4  }
0xd: {  	s8 =	sadd.s32 s2, s10;
	s9 =	sadd.s32 s4, s10;
	s31 =	sor.u32 $0x200, s10  }
0xe: {  	s10 =	sadd.s32 s5, s10;
	s0 =	sadd.s32 s7, s0;
	s7 =	smul.u32 $0x28, s1  }
0xf: {  	s11 =	sadd.s32 s2, s31;
	s12 =	sadd.s32 s4, s31;
	s13 =	sadd.s32 s5, s31  }
0x10: {  	v0 =	vimm.f32 $0.0e+00;
	s16 =	smax.u32 s16, $0x1;
	s15 =	sadd.s32 $0x24600, s0;
	s14 =	sor.u32 $0x1, s7  }
.LBB2_10:
0x11: {  	s28 =	sadd.s32 $0x1, s28  }
0x12: {  	p0 =	sne.s32 s28, s16  }
.Ltmp1:
0x13: {  	_ = 	snop;
	(pc) =	sbr.rel @!p0 .LBB2_11-.Ltmp1, $4  }
0x14: {  	[hbm4b:s15+s3] =	stream.linear.scatter [tilespmem:s25], [sflag:$0x1], $0x7530, $0x38;
	[tilespmem:$0x14A60] =	vst v63  }
0x15: {  	_ =	swait.ge [sflag:s23], $0x7530  }
0x16: {  	[sflag:s23] =	ssyncset.done $0x0  }
0x17: {  	[sflag:s23] =	ssyncadd.s32 $0xFFFF8AD0  }
.LBB2_1:
0x18: {  	[tilespmem:s3], [sflag:$0x1] =	stream.linear.gather [hbm4b:s6+s3], $0x7530, $0x38;
	[tilespmem:$0x14A60] =	vst v63  }
0x19: {  	s0 =	simm.s32 $0xEA60  }
0x1a: {  	[tilespmem:s0], [sflag:$0x2] =	stream.linear.gather [hbm4b:s8+s3], $0x1000, $0x38;
	[tilespmem:$0x14A60] =	vst v63  }
0x1b: {  	_ = 	snop  }
0x1c: {  	[tilespmem:s18], [sflag:$0x2] =	stream.linear.gather [hbm4b:s9+s3], $0x1000, $0x38;
	[tilespmem:$0x14A60] =	vst v63  }
0x1d: {  	_ = 	snop  }
0x1e: {  	[tilespmem:s19], [sflag:$0x2] =	stream.linear.gather [hbm4b:s10+s3], $0x1000, $0x38;
	[tilespmem:$0x14A60] =	vst v63  }
0x1f: {  	_ = 	snop  }
0x20: {  	[tilespmem:s20], [sflag:$0x3] =	stream.linear.gather [hbm4b:s11+s3], $0x1000, $0x38;
	[tilespmem:$0x14A60] =	vst v63  }
0x21: {  	_ = 	snop  }
0x22: {  	[tilespmem:s21], [sflag:$0x3] =	stream.linear.gather [hbm4b:s12+s3], $0x1000, $0x38;
	[tilespmem:$0x14A60] =	vst v63  }
0x23: {  	s1 =	simm.s32 $0x0;
	s0 =	simm.s32 $0x40  }
0x24: {  	[tilespmem:s22], [sflag:$0x3] =	stream.linear.gather [hbm4b:s13+s3], $0x1000, $0x38;
	[tilespmem:$0x14A60] =	vst v63  }
.LBB2_2:
0x25: {  	p0 =	sne.s32 s0, $0x9C00;
	[tilespmem:s1+$0xC350] =	vst v0;
	s17 =	smov.u32 s0;
	s0 =	sadd.s32 $0x40, s0  }
.Ltmp2:
0x26: {  	[tilespmem:s1+$0x7530] =	vst v0;
	(pc) =	sbr.rel @p0 .LBB2_2-.Ltmp2, $2  }
0x27: {  	[tilespmem:s1+$0x9C40] =	vst v0;
	_ =	sdelay $0x2  }
0x28: {  	s1 =	sshra.s32 s17, $0x2  }
0x29: {  	[tilespmem:s1+$0xC350] =	vst v0  }
0x2a: {  	[tilespmem:s1+$0x7530] =	vst v0  }
0x2b: {  	[tilespmem:s1+$0x9C40] =	vst v0  }
0x2c: {  	_ =	swait.ge [sflag:s23], $0x7530  }
0x2d: {  	[sflag:s23] =	ssyncset.done $0x0  }
0x2e: {  	s29 =	simm.s32 $0x0;
	[sflag:s23] =	ssyncadd.s32 $0xFFFF8AD0  }
.LBB2_4:
0x2f: {  	_ =	swait.ge [sflag:s24], $0x1000  }
0x30: {  	[sflag:s24] =	ssyncset.done $0x0  }
0x31: {  	[sflag:s24] =	ssyncadd.s32 $0xFFFFF000  }
0x32: {  	_ =	swait.ge [sflag:s24], $0x1000  }
0x33: {  	[sflag:s24] =	ssyncset.done $0x0  }
0x34: {  	[sflag:s24] =	ssyncadd.s32 $0xFFFFF000  }
0x35: {  	_ =	swait.ge [sflag:s24], $0x1000  }
0x36: {  	[sflag:s24] =	ssyncset.done $0x0  }
0x37: {  	s0 =	simm.s32 $0xEA80;
	[sflag:s24] =	ssyncadd.s32 $0xFFFFF000  }
0x38: {  	v1 =	vld [tilespmem:s0+$0x10]  }
0x39: {  	v4 =	vld [tilespmem:s0+$0xFFFFFFF0]  }
0x3a: {  	v5 =	vld [tilespmem:s0+$0xFFFFFFE0]  }
0x3b: {  	s17 =	simm.s32 $0x10A80;
	v6 =	vld [tilespmem:s0+$0x0]  }
0x3c: {  	s1 =	simm.s32 $0x12A80;
	v2 =	vld [tilespmem:s17+$0x10]  }
0x3d: {  	v7 =	vld [tilespmem:s1+$0x10]  }
0x3e: {  	v12 =	vld [tilespmem:s1+$0xFFFFFFE0]  }
0x3f: {  	v13 =	vld [tilespmem:s1+$0xFFFFFFF0]  }
0x40: {  	v3 =	vld.idx.msk [tilespmem:v1+s3+$0x0], $0xffff  }
0x41: {  	v14 =	vld [tilespmem:s17+$0xFFFFFFF0]  }
0x42: {  	v16 =	vld [tilespmem:s17+$0x0]  }
0x43: {  	s30 =	simm.s32 $0x10AC0;
	v18 =	vld [tilespmem:s1+$0x0];
	v10 =	vadd.s32 $0x2710, v1  }
0x44: {  	v60 =	vld [tilespmem:s30+$0xFFFFFFE0]  }
0x45: {  	v8 =	vld.idx.msk [tilespmem:v4+s3+$0x0], $0xffff;
	v3 =	vmul.f32 v3, v7  }
0x46: {  	v11 =	vld.idx.msk [tilespmem:v6+s3+$0x0], $0xffff  }
0x47: {  	[tilespmem:v2+s25+$0x0] =	vst.idx.add.f32.msk $0xffff, v3  }
0x48: {  	v3 =	vld.idx.msk [tilespmem:v10+s3+$0x0], $0xffff  }
0x49: {  	v24 =	vld [tilespmem:s30+$0xFFFFFFF0]  }
0x4a: {  	v15 =	vadd.s32 $0x2710, v2;
	v10 =	vld [tilespmem:s17+$0xFFFFFFE0]  }
0x4b: {  	v9 =	vld.idx.msk [tilespmem:v5+s3+$0x0], $0xffff;
	v1 =	vadd.s32 $0x4E20, v1;
	v8 =	vmul.f32 v8, v13  }
0x4c: {  	v26 =	vld [tilespmem:s30+$0x0];
	v11 =	vmul.f32 v11, v18  }
0x4d: {  	[tilespmem:v14+s25+$0x0] =	vst.idx.add.f32.msk $0xffff, v8;
	v3 =	vmul.f32 v3, v7  }
0x4e: {  	v17 =	vadd.s32 $0x2710, v5;
	[tilespmem:v16+s25+$0x0] =	vst.idx.add.f32.msk $0xffff, v11  }
0x4f: {  	[tilespmem:v15+s25+$0x0] =	vst.idx.add.f32.msk $0xffff, v3  }
0x50: {  	v9 =	vmul.f32 v9, v12;
	s17 =	simm.s32 $0xEAC0;
	v15 =	vadd.s32 $0x2710, v6;
	v1 =	vld.idx.msk [tilespmem:v1+s3+$0x0], $0xffff  }
0x51: {  	v11 =	vld [tilespmem:s17+$0x10]  }
0x52: {  	v2 =	vadd.s32 $0x4E20, v2;
	[tilespmem:v10+s25+$0x0] =	vst.idx.add.f32.msk $0xffff, v9  }
0x53: {  	v8 =	vld.idx.msk [tilespmem:v17+s3+$0x0], $0xffff  }
0x54: {  	v19 =	vld [tilespmem:s17+$0x0];
	v3 =	vadd.s32 $0x2710, v4  }
0x55: {  	v9 =	vadd.s32 $0x2710, v10;
	v1 =	vmul.f32 v1, v7;
	v7 =	vld.idx.msk [tilespmem:v15+s3+$0x0], $0xffff  }
0x56: {  	v20 =	vld [tilespmem:s17+$0xFFFFFFE0]  }
0x57: {  	[tilespmem:v2+s25+$0x0] =	vst.idx.add.f32.msk $0xffff, v1;
	v2 =	vadd.s32 $0x2710, v16  }
0x58: {  	v17 =	vld [tilespmem:s17+$0xFFFFFFF0];
	v8 =	vmul.f32 v8, v12  }
0x59: {  	v3 =	vld.idx.msk [tilespmem:v3+s3+$0x0], $0xffff  }
0x5a: {  	s31 =	simm.s32 $0x12AC0;
	[tilespmem:v9+s25+$0x0] =	vst.idx.add.f32.msk $0xffff, v8;
	v7 =	vmul.f32 v7, v18  }
0x5b: {  	v9 =	vld [tilespmem:s31+$0x10]  }
0x5c: {  	[tilespmem:v2+s25+$0x0] =	vst.idx.add.f32.msk $0xffff, v7  }
0x5d: {  	v5 =	vadd.s32 $0x4E20, v5;
	v7 =	vld [tilespmem:s30+$0x10]  }
0x5e: {  	v1 =	vadd.s32 $0x2710, v14;
	v2 =	vld.idx.msk [tilespmem:v11+s3+$0x0], $0xffff  }
0x5f: {  	v21 =	vld.idx.msk [tilespmem:v19+s3+$0x0], $0xffff  }
0x60: {  	v15 =	vld.idx.msk [tilespmem:v20+s3+$0x0], $0xffff  }
0x61: {  	v22 =	vadd.s32 $0x2710, v11;
	v3 =	vmul.f32 v3, v13;
	v8 =	vld.idx.msk [tilespmem:v17+s3+$0x0], $0xffff  }
0x62: {  	v5 =	vld.idx.msk [tilespmem:v5+s3+$0x0], $0xffff  }
0x63: {  	v4 =	vadd.s32 $0x4E20, v4;
	[tilespmem:v1+s25+$0x0] =	vst.idx.add.f32.msk $0xffff, v3;
	v23 =	vmul.f32 v2, v9  }
0x64: {  	v6 =	vadd.s32 $0x4E20, v6;
	v3 =	vld [tilespmem:s31+$0xFFFFFFE0]  }
0x65: {  	[tilespmem:v7+s25+$0x0] =	vst.idx.add.f32.msk $0xffff, v23  }
0x66: {  	v63 =	vadd.s32 $0x4E20, v10;
	v22 =	vld.idx.msk [tilespmem:v22+s3+$0x0], $0xffff  }
0x67: {  	v1 =	vld [tilespmem:s31+$0xFFFFFFF0]  }
0x68: {  	v27 =	vld.idx.msk [tilespmem:v4+s3+$0x0], $0xffff;
	v25 =	vadd.s32 $0x2710, v7  }
0x69: {  	v11 =	vadd.s32 $0x4E20, v11;
	v61 =	vld.idx.msk [tilespmem:v6+s3+$0x0], $0xffff;
	v5 =	vmul.f32 v5, v12  }
0x6a: {  	v6 =	vadd.s32 $0x2710, v20;
	v2 =	vld [tilespmem:s31+$0x0];
	v15 =	vmul.f32 v15, v3  }
0x6b: {  	[tilespmem:v63+s25+$0x0] =	vst.idx.add.f32.msk $0xffff, v5;
	v4 =	vmul.f32 v22, v9  }
0x6c: {  	[tilespmem:v60+s25+$0x0] =	vst.idx.add.f32.msk $0xffff, v15  }
0x6d: {  	v62 =	vadd.s32 $0x2710, v17;
	[tilespmem:v25+s25+$0x0] =	vst.idx.add.f32.msk $0xffff, v4  }
0x6e: {  	v28 =	vadd.s32 $0x2710, v19;
	v4 =	vmul.f32 v8, v1;
	v11 =	vld.idx.msk [tilespmem:v11+s3+$0x0], $0xffff  }
0x6f: {  	v30 =	vadd.s32 $0x4E20, v14;
	v15 =	vld.idx.msk [tilespmem:v6+s3+$0x0], $0xffff;
	v8 =	vmul.f32 v21, v2  }
0x70: {  	v29 =	vadd.s32 $0x4E20, v7;
	[tilespmem:v24+s25+$0x0] =	vst.idx.add.f32.msk $0xffff, v4  }
0x71: {  	v10 =	vadd.s32 $0x4E20, v20;
	[tilespmem:v26+s25+$0x0] =	vst.idx.add.f32.msk $0xffff, v8  }
0x72: {  	v4 =	vadd.s32 $0x4E20, v16;
	v8 =	vadd.s32 $0x4E20, v19;
	v19 =	vmul.f32 v27, v13;
	v16 =	vld.idx.msk [tilespmem:v62+s3+$0x0], $0xffff  }
0x73: {  	v14 =	vadd.s32 $0x2710, v26;
	v7 =	vadd.s32 $0x4E20, v17;
	v17 =	vld.idx.msk [tilespmem:v28+s3+$0x0], $0xffff;
	v9 =	vmul.f32 v11, v9  }
0x74: {  	v12 =	vadd.s32 $0x2710, v60;
	v5 =	vadd.s32 $0x4E20, v60;
	v6 =	vadd.s32 $0x4E20, v24;
	[tilespmem:v30+s25+$0x0] =	vst.idx.add.f32.msk $0xffff, v19  }
0x75: {  	s0 =	simm.s32 $0x40;
	s1 =	simm.s32 $0xEB00;
	v13 =	vadd.s32 $0x2710, v24;
	v11 =	vmul.f32 v61, v18;
	[tilespmem:v29+s25+$0x0] =	vst.idx.add.f32.msk $0xffff, v9;
	v9 =	vadd.s32 $0x4E20, v26  }
.LBB2_5:
0x76: {  	v18 =	vld [tilespmem:s1+$0x10];
	s0 =	sadd.s32 $0x40, s0;
	v15 =	vmul.f32 v15, v3  }
0x77: {  	v16 =	vmul.f32 v16, v1;
	v19 =	vld [tilespmem:s1+$0xFFFFFFF0];
	p0 =	slt.u32 s0, $0xFC0  }
0x78: {  	v17 =	vmul.f32 v17, v2;
	v20 =	vld [tilespmem:s1+$0x0]  }
0x79: {  	v21 =	vld [tilespmem:s1+$0xFFFFFFE0]  }
0x7a: {  	[tilespmem:v12+s25+$0x0] =	vst.idx.add.f32.msk $0xffff, v15  }
0x7b: {  	[tilespmem:v13+s25+$0x0] =	vst.idx.add.f32.msk $0xffff, v16  }
0x7c: {  	s30 =	sadd.s32 $0x40, s30;
	v16 =	vadd.s32 $0x2710, v19;
	v12 =	vadd.s32 $0x4E20, v19;
	[tilespmem:v14+s25+$0x0] =	vst.idx.add.f32.msk $0xffff, v17  }
0x7d: {  	v17 =	vadd.s32 $0x2710, v20;
	v13 =	vadd.s32 $0x4E20, v20;
	v15 =	vld [tilespmem:s30+$0x10]  }
0x7e: {  	s31 =	sadd.s32 $0x40, s31;
	v22 =	vadd.s32 $0x2710, v21;
	v14 =	vadd.s32 $0x4E20, v21;
	v23 =	vld.idx.msk [tilespmem:v18+s3+$0x0], $0xffff  }
0x7f: {  	v24 =	vld [tilespmem:s31+$0x10]  }
0x80: {  	v19 =	vld.idx.msk [tilespmem:v19+s3+$0x0], $0xffff  }
0x81: {  	v21 =	vld.idx.msk [tilespmem:v21+s3+$0x0], $0xffff  }
0x82: {  	v25 =	vadd.s32 $0x2710, v18;
	v20 =	vld.idx.msk [tilespmem:v20+s3+$0x0], $0xffff  }
0x83: {  	v26 =	vld [tilespmem:s31+$0xFFFFFFE0]  }
0x84: {  	v27 =	vld [tilespmem:s31+$0xFFFFFFF0];
	v23 =	vmul.f32 v23, v24  }
0x85: {  	v28 =	vld [tilespmem:s31+$0x0]  }
0x86: {  	[tilespmem:v15+s25+$0x0] =	vst.idx.add.f32.msk $0xffff, v23  }
0x87: {  	v23 =	vld.idx.msk [tilespmem:v25+s3+$0x0], $0xffff  }
0x88: {  	v25 =	vld [tilespmem:s30+$0xFFFFFFE0];
	v21 =	vmul.f32 v21, v26  }
0x89: {  	v29 =	vld [tilespmem:s30+$0xFFFFFFF0];
	v19 =	vmul.f32 v19, v27  }
0x8a: {  	v31 =	vadd.s32 $0x2710, v15;
	v30 =	vld [tilespmem:s30+$0x0];
	v20 =	vmul.f32 v20, v28  }
0x8b: {  	v18 =	vadd.s32 $0x4E20, v18;
	v32 =	vld.idx.msk [tilespmem:v10+s3+$0x0], $0xffff;
	v10 =	vmov v14  }
0x8c: {  	v33 =	vld.idx.msk [tilespmem:v7+s3+$0x0], $0xffff;
	v7 =	vmov v12  }
0x8d: {  	v23 =	vmul.f32 v23, v24;
	v12 =	vadd.s32 $0x2710, v25;
	v34 =	vadd.s32 $0x4E20, v25;
	v35 =	vld.idx.msk [tilespmem:v8+s3+$0x0], $0xffff;
	v8 =	vmovc v13  }
0x8e: {  	v13 =	vadd.s32 $0x2710, v29;
	v36 =	vadd.s32 $0x4E20, v29;
	[tilespmem:v4+s25+$0x0] =	vst.idx.add.f32.msk $0xffff, v11;
	v4 =	vmov v9  }
0x8f: {  	v14 =	vadd.s32 $0x2710, v30;
	v9 =	vadd.s32 $0x4E20, v30;
	[tilespmem:v31+s25+$0x0] =	vst.idx.add.f32.msk $0xffff, v23  }
0x90: {  	v18 =	vld.idx.msk [tilespmem:v18+s3+$0x0], $0xffff  }
0x91: {  	[tilespmem:v25+s25+$0x0] =	vst.idx.add.f32.msk $0xffff, v21;
	v21 =	vmul.f32 v32, v3;
	v3 =	vmov v26  }
0x92: {  	[tilespmem:v29+s25+$0x0] =	vst.idx.add.f32.msk $0xffff, v19;
	v19 =	vmul.f32 v33, v1;
	v1 =	vmov v27  }
0x93: {  	v11 =	vmul.f32 v35, v2;
	v2 =	vmov v28;
	[tilespmem:v30+s25+$0x0] =	vst.idx.add.f32.msk $0xffff, v20;
	v20 =	vadd.s32 $0x4E20, v15  }
0x94: {  	v15 =	vld.idx.msk [tilespmem:v22+s3+$0x0], $0xffff  }
.Ltmp3:
0x95: {  	v16 =	vld.idx.msk [tilespmem:v16+s3+$0x0], $0xffff;
	(pc) =	sbr.rel @p0 .LBB2_5-.Ltmp3, $4  }
0x96: {  	v18 =	vmul.f32 v18, v24;
	v17 =	vld.idx.msk [tilespmem:v17+s3+$0x0], $0xffff  }
0x97: {  	[tilespmem:v5+s25+$0x0] =	vst.idx.add.f32.msk $0xffff, v21;
	v5 =	vmov v34  }
0x98: {  	[tilespmem:v20+s25+$0x0] =	vst.idx.add.f32.msk $0xffff, v18  }
0x99: {  	s1 =	sadd.s32 $0x40, s1;
	[tilespmem:v6+s25+$0x0] =	vst.idx.add.f32.msk $0xffff, v19;
	v6 =	vmov v36  }
0x9a: {  	_ =	sdelay $0x1  }
0x9b: {  	v15 =	vmul.f32 v15, v3  }
0x9c: {  	v16 =	vmul.f32 v16, v1  }
0x9d: {  	v17 =	vmul.f32 v17, v2;
	[tilespmem:v12+s25+$0x0] =	vst.idx.add.f32.msk $0xffff, v15  }
0x9e: {  	[tilespmem:v13+s25+$0x0] =	vst.idx.add.f32.msk $0xffff, v16  }
0x9f: {  	[tilespmem:v14+s25+$0x0] =	vst.idx.add.f32.msk $0xffff, v17  }
0xa0: {  	v10 =	vld.idx.msk [tilespmem:v10+s3+$0x0], $0xffff  }
0xa1: {  	v7 =	vld.idx.msk [tilespmem:v7+s3+$0x0], $0xffff  }
0xa2: {  	v8 =	vld.idx.msk [tilespmem:v8+s3+$0x0], $0xffff;
	_ =	sdelay $0x2  }
0xa3: {  	s30 =	sshll.u32 s29, $0x1;
	p0 =	seq.s32 s29, $0x13;
	v3 =	vmul.f32 v10, v3  }
0xa4: {  	[tilespmem:v4+s25+$0x0] =	vst.idx.add.f32.msk $0xffff, v11;
	s0 =	sadd.s32 @!p0 s7, s30;
	v1 =	vmul.f32 v7, v1  }
0xa5: {  	s0 =	sshll.u32 @!p0 s0, $0x9;
	v2 =	vmul.f32 v8, v2;
	[tilespmem:v5+s25+$0x0] =	vst.idx.add.f32.msk $0xffff, v3  }
0xa6: {  	s0 =	sadd.s32 @!p0 $0x400, s0;
	[tilespmem:v6+s25+$0x0] =	vst.idx.add.f32.msk $0xffff, v1  }
0xa7: {  	s17 =	simm.s32 @!p0 $0x0;
	s31 =	simm.s32 @!p0 $0xEA60;
	s1 =	sadd.s32 @!p0 s2, s0;
	[tilespmem:v9+s25+$0x0] =	vst.idx.add.f32.msk $0xffff, v2  }
0xa8: {  	[tilespmem:s31], [sflag:$0x2] =	stream.linear.gather @!p0 [hbm4b:s1+s17], $0x1000, $0x38;
	[tilespmem:$0x14A60] =	vst v63  }
0xa9: {  	s1 =	sadd.s32 @!p0 s4, s0;
	s31 =	simm.s32 @!p0 $0x10A60  }
0xaa: {  	[tilespmem:s31], [sflag:$0x2] =	stream.linear.gather @!p0 [hbm4b:s1+s17], $0x1000, $0x38;
	[tilespmem:$0x14A60] =	vst v63  }
0xab: {  	s0 =	sadd.s32 @!p0 s5, s0;
	s1 =	simm.s32 @!p0 $0x12A60  }
0xac: {  	[tilespmem:s1], [sflag:$0x2] =	stream.linear.gather @!p0 [hbm4b:s0+s17], $0x1000, $0x38;
	[tilespmem:$0x14A60] =	vst v63  }
0xad: {  	_ =	swait.ge [sflag:s26], $0x1000  }
0xae: {  	[sflag:s26] =	ssyncset.done $0x0  }
0xaf: {  	[sflag:s26] =	ssyncadd.s32 $0xFFFFF000  }
0xb0: {  	_ =	swait.ge [sflag:s26], $0x1000  }
0xb1: {  	[sflag:s26] =	ssyncset.done $0x0  }
0xb2: {  	[sflag:s26] =	ssyncadd.s32 $0xFFFFF000  }
0xb3: {  	_ =	swait.ge [sflag:s26], $0x1000  }
0xb4: {  	[sflag:s26] =	ssyncset.done $0x0  }
0xb5: {  	s17 =	simm.s32 $0xFA80;
	[sflag:s26] =	ssyncadd.s32 $0xFFFFF000  }
0xb6: {  	v1 =	vld [tilespmem:s17+$0x10];
	_ =	sdelay $0x1  }
0xb7: {  	v4 =	vld [tilespmem:s17+$0xFFFFFFF0]  }
0xb8: {  	v5 =	vld [tilespmem:s17+$0xFFFFFFE0]  }
0xb9: {  	s1 =	simm.s32 $0x11A80;
	v6 =	vld [tilespmem:s17+$0x0]  }
0xba: {  	v2 =	vld [tilespmem:s1+$0x10]  }
0xbb: {  	s17 =	simm.s32 $0x13A80;
	v14 =	vld [tilespmem:s1+$0xFFFFFFF0]  }
0xbc: {  	v7 =	vld [tilespmem:s17+$0x10]  }
0xbd: {  	v3 =	vld.idx.msk [tilespmem:v1+s3+$0x0], $0xffff  }
0xbe: {  	s31 =	simm.s32 $0x11AC0;
	v16 =	vld [tilespmem:s1+$0x0]  }
0xbf: {  	v60 =	vld [tilespmem:s31+$0xFFFFFFE0]  }
0xc0: {  	v12 =	vld [tilespmem:s17+$0xFFFFFFE0];
	v10 =	vadd.s32 $0x2710, v1  }
0xc1: {  	v13 =	vld [tilespmem:s17+$0xFFFFFFF0]  }
0xc2: {  	v18 =	vld [tilespmem:s17+$0x0];
	v3 =	vmul.f32 v3, v7  }
0xc3: {  	v8 =	vld.idx.msk [tilespmem:v4+s3+$0x0], $0xffff  }
0xc4: {  	[tilespmem:v2+s25+$0x0] =	vst.idx.add.f32.msk $0xffff, v3  }
0xc5: {  	v3 =	vld.idx.msk [tilespmem:v10+s3+$0x0], $0xffff  }
0xc6: {  	v11 =	vld.idx.msk [tilespmem:v6+s3+$0x0], $0xffff  }
0xc7: {  	v15 =	vadd.s32 $0x2710, v2;
	v10 =	vld [tilespmem:s1+$0xFFFFFFE0]  }
0xc8: {  	v9 =	vld.idx.msk [tilespmem:v5+s3+$0x0], $0xffff;
	v1 =	vadd.s32 $0x4E20, v1  }
0xc9: {  	v24 =	vld [tilespmem:s31+$0xFFFFFFF0];
	s17 =	simm.s32 $0xFAC0;
	v8 =	vmul.f32 v8, v13  }
0xca: {  	v19 =	vld [tilespmem:s17+$0x0];
	v3 =	vmul.f32 v3, v7  }
0xcb: {  	v17 =	vadd.s32 $0x2710, v5;
	[tilespmem:v14+s25+$0x0] =	vst.idx.add.f32.msk $0xffff, v8  }
0xcc: {  	v11 =	vmul.f32 v11, v18;
	[tilespmem:v15+s25+$0x0] =	vst.idx.add.f32.msk $0xffff, v3  }
0xcd: {  	v9 =	vmul.f32 v9, v12;
	v3 =	vadd.s32 $0x2710, v4;
	v1 =	vld.idx.msk [tilespmem:v1+s3+$0x0], $0xffff  }
0xce: {  	[tilespmem:v16+s25+$0x0] =	vst.idx.add.f32.msk $0xffff, v11;
	v15 =	vadd.s32 $0x2710, v6  }
0xcf: {  	v2 =	vadd.s32 $0x4E20, v2;
	[tilespmem:v10+s25+$0x0] =	vst.idx.add.f32.msk $0xffff, v9  }
0xd0: {  	v8 =	vld.idx.msk [tilespmem:v17+s3+$0x0], $0xffff  }
0xd1: {  	v11 =	vld [tilespmem:s17+$0x10]  }
0xd2: {  	v9 =	vadd.s32 $0x2710, v10;
	v3 =	vld.idx.msk [tilespmem:v3+s3+$0x0], $0xffff;
	v1 =	vmul.f32 v1, v7  }
0xd3: {  	v7 =	vld.idx.msk [tilespmem:v15+s3+$0x0], $0xffff  }
0xd4: {  	[tilespmem:v2+s25+$0x0] =	vst.idx.add.f32.msk $0xffff, v1;
	v1 =	vadd.s32 $0x2710, v14  }
0xd5: {  	v20 =	vld [tilespmem:s17+$0xFFFFFFE0];
	v8 =	vmul.f32 v8, v12;
	v2 =	vadd.s32 $0x2710, v16  }
0xd6: {  	v17 =	vld [tilespmem:s17+$0xFFFFFFF0]  }
0xd7: {  	s0 =	simm.s32 $0x13AC0;
	[tilespmem:v9+s25+$0x0] =	vst.idx.add.f32.msk $0xffff, v8;
	v3 =	vmul.f32 v3, v13  }
0xd8: {  	v8 =	vld [tilespmem:s0+$0x10];
	v7 =	vmul.f32 v7, v18  }
0xd9: {  	[tilespmem:v1+s25+$0x0] =	vst.idx.add.f32.msk $0xffff, v3  }
0xda: {  	[tilespmem:v2+s25+$0x0] =	vst.idx.add.f32.msk $0xffff, v7  }
0xdb: {  	v7 =	vld [tilespmem:s31+$0x10]  }
0xdc: {  	v5 =	vadd.s32 $0x4E20, v5;
	v3 =	vld.idx.msk [tilespmem:v11+s3+$0x0], $0xffff  }
0xdd: {  	v26 =	vld [tilespmem:s31+$0x0]  }
0xde: {  	v21 =	vld.idx.msk [tilespmem:v19+s3+$0x0], $0xffff  }
0xdf: {  	v22 =	vadd.s32 $0x2710, v11;
	v15 =	vld.idx.msk [tilespmem:v20+s3+$0x0], $0xffff  }
0xe0: {  	v6 =	vadd.s32 $0x4E20, v6;
	v9 =	vld.idx.msk [tilespmem:v17+s3+$0x0], $0xffff  }
0xe1: {  	v5 =	vld.idx.msk [tilespmem:v5+s3+$0x0], $0xffff;
	v23 =	vmul.f32 v3, v8  }
0xe2: {  	v2 =	vld [tilespmem:s0+$0xFFFFFFE0]  }
0xe3: {  	v4 =	vadd.s32 $0x4E20, v4;
	[tilespmem:v7+s25+$0x0] =	vst.idx.add.f32.msk $0xffff, v23  }
0xe4: {  	v22 =	vld.idx.msk [tilespmem:v22+s3+$0x0], $0xffff  }
0xe5: {  	v61 =	vld.idx.msk [tilespmem:v6+s3+$0x0], $0xffff;
	v6 =	vadd.s32 $0x2710, v20  }
0xe6: {  	v1 =	vld [tilespmem:s0+$0xFFFFFFF0];
	v25 =	vadd.s32 $0x2710, v7  }
0xe7: {  	v11 =	vadd.s32 $0x4E20, v11;
	v3 =	vld [tilespmem:s0+$0x0];
	v15 =	vmul.f32 v15, v2  }
0xe8: {  	v10 =	vadd.s32 $0x4E20, v10;
	v27 =	vld.idx.msk [tilespmem:v4+s3+$0x0], $0xffff  }
0xe9: {  	[tilespmem:v60+s25+$0x0] =	vst.idx.add.f32.msk $0xffff, v15;
	v4 =	vmul.f32 v22, v8  }
0xea: {  	v15 =	vld.idx.msk [tilespmem:v6+s3+$0x0], $0xffff  }
0xeb: {  	v62 =	vadd.s32 $0x2710, v17;
	v63 =	vadd.s32 $0x4E20, v7;
	v7 =	vmul.f32 v5, v12;
	[tilespmem:v25+s25+$0x0] =	vst.idx.add.f32.msk $0xffff, v4  }
0xec: {  	v21 =	vmul.f32 v21, v3;
	v4 =	vmul.f32 v9, v1;
	v9 =	vld.idx.msk [tilespmem:v11+s3+$0x0], $0xffff;
	v11 =	vadd.s32 $0x2710, v19  }
0xed: {  	v28 =	vadd.s32 $0x4E20, v14;
	[tilespmem:v10+s25+$0x0] =	vst.idx.add.f32.msk $0xffff, v7  }
0xee: {  	[tilespmem:v26+s25+$0x0] =	vst.idx.add.f32.msk $0xffff, v21  }
0xef: {  	v14 =	vadd.s32 $0x2710, v26;
	[tilespmem:v24+s25+$0x0] =	vst.idx.add.f32.msk $0xffff, v4  }
0xf0: {  	v6 =	vadd.s32 $0x4E20, v19;
	v19 =	vmul.f32 v27, v13;
	v4 =	vadd.s32 $0x4E20, v16;
	v16 =	vld.idx.msk [tilespmem:v62+s3+$0x0], $0xffff  }
0xf1: {  	v5 =	vadd.s32 $0x4E20, v17;
	v12 =	vadd.s32 $0x2710, v60;
	v17 =	vld.idx.msk [tilespmem:v11+s3+$0x0], $0xffff;
	v11 =	vmul.f32 v9, v8  }
0xf2: {  	v7 =	vadd.s32 $0x4E20, v60;
	v10 =	vadd.s32 $0x4E20, v26;
	v13 =	vadd.s32 $0x2710, v24;
	[tilespmem:v28+s25+$0x0] =	vst.idx.add.f32.msk $0xffff, v19  }
0xf3: {  	s1 =	simm.s32 $0x40;
	s17 =	simm.s32 $0xFB00;
	v9 =	vadd.s32 $0x4E20, v20;
	v8 =	vadd.s32 $0x4E20, v24;
	[tilespmem:v63+s25+$0x0] =	vst.idx.add.f32.msk $0xffff, v11;
	v11 =	vmul.f32 v61, v18  }
.LBB2_7:
0xf4: {  	v18 =	vld [tilespmem:s17+$0x10];
	s1 =	sadd.s32 $0x40, s1;
	v15 =	vmul.f32 v15, v2  }
0xf5: {  	v16 =	vmul.f32 v16, v1;
	v19 =	vld [tilespmem:s17+$0xFFFFFFF0];
	p1 =	slt.u32 s1, $0xFC0  }
0xf6: {  	v17 =	vmul.f32 v17, v3;
	v20 =	vld [tilespmem:s17+$0x0]  }
0xf7: {  	v21 =	vld [tilespmem:s17+$0xFFFFFFE0]  }
0xf8: {  	[tilespmem:v12+s25+$0x0] =	vst.idx.add.f32.msk $0xffff, v15  }
0xf9: {  	[tilespmem:v13+s25+$0x0] =	vst.idx.add.f32.msk $0xffff, v16  }
0xfa: {  	s31 =	sadd.s32 $0x40, s31;
	v16 =	vadd.s32 $0x2710, v19;
	v12 =	vadd.s32 $0x4E20, v19;
	[tilespmem:v14+s25+$0x0] =	vst.idx.add.f32.msk $0xffff, v17  }
0xfb: {  	v17 =	vadd.s32 $0x2710, v20;
	v13 =	vadd.s32 $0x4E20, v20;
	v15 =	vld [tilespmem:s31+$0x10]  }
0xfc: {  	s0 =	sadd.s32 $0x40, s0;
	v22 =	vadd.s32 $0x2710, v21;
	v14 =	vadd.s32 $0x4E20, v21;
	v23 =	vld.idx.msk [tilespmem:v18+s3+$0x0], $0xffff  }
0xfd: {  	v24 =	vld [tilespmem:s0+$0x10]  }
0xfe: {  	v19 =	vld.idx.msk [tilespmem:v19+s3+$0x0], $0xffff  }
0xff: {  	v21 =	vld.idx.msk [tilespmem:v21+s3+$0x0], $0xffff  }
0x100: {  	v25 =	vadd.s32 $0x2710, v18;
	v20 =	vld.idx.msk [tilespmem:v20+s3+$0x0], $0xffff  }
0x101: {  	v26 =	vld [tilespmem:s0+$0xFFFFFFE0]  }
0x102: {  	v27 =	vld [tilespmem:s0+$0xFFFFFFF0];
	v23 =	vmul.f32 v23, v24  }
0x103: {  	v28 =	vld [tilespmem:s0+$0x0]  }
0x104: {  	[tilespmem:v15+s25+$0x0] =	vst.idx.add.f32.msk $0xffff, v23  }
0x105: {  	v23 =	vld.idx.msk [tilespmem:v25+s3+$0x0], $0xffff  }
0x106: {  	v25 =	vld [tilespmem:s31+$0xFFFFFFE0];
	v21 =	vmul.f32 v21, v26  }
0x107: {  	v29 =	vld [tilespmem:s31+$0xFFFFFFF0];
	v19 =	vmul.f32 v19, v27  }
0x108: {  	v31 =	vadd.s32 $0x2710, v15;
	v30 =	vld [tilespmem:s31+$0x0];
	v20 =	vmul.f32 v20, v28  }
0x109: {  	v18 =	vadd.s32 $0x4E20, v18;
	v32 =	vld.idx.msk [tilespmem:v9+s3+$0x0], $0xffff;
	v9 =	vmov v14  }
0x10a: {  	v33 =	vld.idx.msk [tilespmem:v5+s3+$0x0], $0xffff;
	v5 =	vmov v12  }
0x10b: {  	v23 =	vmul.f32 v23, v24;
	v12 =	vadd.s32 $0x2710, v25;
	v34 =	vadd.s32 $0x4E20, v25;
	v35 =	vld.idx.msk [tilespmem:v6+s3+$0x0], $0xffff;
	v6 =	vmovc v13  }
0x10c: {  	v13 =	vadd.s32 $0x2710, v29;
	v36 =	vadd.s32 $0x4E20, v29;
	[tilespmem:v4+s25+$0x0] =	vst.idx.add.f32.msk $0xffff, v11;
	v4 =	vmov v10  }
0x10d: {  	v14 =	vadd.s32 $0x2710, v30;
	v10 =	vadd.s32 $0x4E20, v30;
	[tilespmem:v31+s25+$0x0] =	vst.idx.add.f32.msk $0xffff, v23  }
0x10e: {  	v18 =	vld.idx.msk [tilespmem:v18+s3+$0x0], $0xffff  }
0x10f: {  	[tilespmem:v25+s25+$0x0] =	vst.idx.add.f32.msk $0xffff, v21;
	v21 =	vmul.f32 v32, v2;
	v2 =	vmov v26  }
0x110: {  	[tilespmem:v29+s25+$0x0] =	vst.idx.add.f32.msk $0xffff, v19;
	v19 =	vmul.f32 v33, v1;
	v1 =	vmov v27  }
0x111: {  	v11 =	vmul.f32 v35, v3;
	v3 =	vmov v28;
	[tilespmem:v30+s25+$0x0] =	vst.idx.add.f32.msk $0xffff, v20;
	v20 =	vadd.s32 $0x4E20, v15  }
0x112: {  	v15 =	vld.idx.msk [tilespmem:v22+s3+$0x0], $0xffff  }
.Ltmp4:
0x113: {  	v16 =	vld.idx.msk [tilespmem:v16+s3+$0x0], $0xffff;
	(pc) =	sbr.rel @p1 .LBB2_7-.Ltmp4, $4  }
0x114: {  	v18 =	vmul.f32 v18, v24;
	v17 =	vld.idx.msk [tilespmem:v17+s3+$0x0], $0xffff  }
0x115: {  	[tilespmem:v7+s25+$0x0] =	vst.idx.add.f32.msk $0xffff, v21;
	v7 =	vmov v34  }
0x116: {  	[tilespmem:v20+s25+$0x0] =	vst.idx.add.f32.msk $0xffff, v18  }
0x117: {  	s17 =	sadd.s32 $0x40, s17;
	[tilespmem:v8+s25+$0x0] =	vst.idx.add.f32.msk $0xffff, v19;
	v8 =	vmov v36  }
0x118: {  	_ =	sdelay $0x1  }
0x119: {  	v15 =	vmul.f32 v15, v2  }
0x11a: {  	v16 =	vmul.f32 v16, v1  }
0x11b: {  	v17 =	vmul.f32 v17, v3;
	[tilespmem:v12+s25+$0x0] =	vst.idx.add.f32.msk $0xffff, v15  }
0x11c: {  	[tilespmem:v13+s25+$0x0] =	vst.idx.add.f32.msk $0xffff, v16  }
0x11d: {  	[tilespmem:v14+s25+$0x0] =	vst.idx.add.f32.msk $0xffff, v17  }
0x11e: {  	v9 =	vld.idx.msk [tilespmem:v9+s3+$0x0], $0xffff  }
0x11f: {  	v5 =	vld.idx.msk [tilespmem:v5+s3+$0x0], $0xffff  }
0x120: {  	v6 =	vld.idx.msk [tilespmem:v6+s3+$0x0], $0xffff;
	_ =	sdelay $0x2  }
.Ltmp5:
0x121: {  	v2 =	vmul.f32 v9, v2;
	(pc) =	sbr.rel @p0 .LBB2_10-.Ltmp5, $4  }
0x122: {  	[tilespmem:v4+s25+$0x0] =	vst.idx.add.f32.msk $0xffff, v11;
	v1 =	vmul.f32 v5, v1  }
0x123: {  	v3 =	vmul.f32 v6, v3;
	[tilespmem:v7+s25+$0x0] =	vst.idx.add.f32.msk $0xffff, v2  }
0x124: {  	[tilespmem:v8+s25+$0x0] =	vst.idx.add.f32.msk $0xffff, v1  }
0x125: {  	[tilespmem:v10+s25+$0x0] =	vst.idx.add.f32.msk $0xffff, v3  }
0x126: {  	s0 =	sadd.s32 s30, s14  }
0x127: {  	s0 =	sshll.u32 s0, $0x9  }
0x128: {  	s0 =	sadd.s32 $0x400, s0  }
0x129: {  	s1 =	sadd.s32 s2, s0  }
0x12a: {  	[tilespmem:s20], [sflag:$0x3] =	stream.linear.gather [hbm4b:s1+s3], $0x1000, $0x38;
	[tilespmem:$0x14A60] =	vst v63  }
.Ltmp6:
0x12b: {  	_ = 	snop;
	(pc) =	sbr.rel .LBB2_4-.Ltmp6, $4  }
0x12c: {  	s31 =	sadd.s32 s4, s0  }
0x12d: {  	[tilespmem:s21], [sflag:$0x3] =	stream.linear.gather [hbm4b:s31+s3], $0x1000, $0x38;
	[tilespmem:$0x14A60] =	vst v63  }
0x12e: {  	s29 =	sadd.s32 $0x1, s29;
	s0 =	sadd.s32 s5, s0  }
0x12f: {  	[tilespmem:s22], [sflag:$0x3] =	stream.linear.gather [hbm4b:s0+s3], $0x1000, $0x38;
	[tilespmem:$0x14A60] =	vst v63  }
.LBB2_11:
0x130: {  	_ =	sfence.sel $0x180000  }
0x131: {  	[bflag:$0x0] =	sbarrier.arrive $0xFFFF  }
0x132: {  	_ =	strace $0x9000004D  }
0x133: {  	s0 =	stileid.u32;
	[bflag:$0x2] =	sbarrier.arrive $0xFFFF  }
0x134: {  	p0 =	sne.s32 s0, $0x0;
	s0 =	rddreg [dreg:$0x2]  }
0x135: {  	s0 =	sadd.s32 @!p0 $0x100000, s0  }
0x136: {  	[sflag:s0] =	ssyncadd.tile.s32 @!p0 $0x1;
	_ =	shalt  }
.Lfunc_end2:
_tile_overlayer_lowered:
.L_overlay_start_2:
0x137: {  	(tag) =	ssettag $0x2  }
0x138: {  	s0 =	rddreg [dreg:$0x0];
	s2 =	stileid.u32  }
0x139: {  	s1 =	rddreg [dreg:$0x1];
	p0 =	sne.s32 s2, $0x0  }
0x13a: {  	s3 =	rddreg [dreg:$0x2];
	[bflag:$0x3] =	sbarrier.arrive $0xFFFF;
	s2 =	simm.s32 @!p0 $0x1C04  }
0x13b: {  	[timem:s3], [sflag:s2] =	dma.local @!p0 [hbm:s0], s1  }
0x13c: {  	s0 =	simm.s32 @!p0 $0x4  }
0x13d: {  	_ =	swait.ge @!p0 [sflag:s0], s1  }
0x13e: {  	s1 =	ssub.s32 @!p0 $0x0, s1;
	[sflag:s0] =	ssyncset.done @!p0 $0x0  }
0x13f: {  	[sflag:s0] =	ssyncadd.s32 @!p0 s1  }
0x140: {  	[bflag:$0x3] =	sbarrier.arrive $0xFFFF  }
0x141: {  	_ =	shalt  }

// kernel: kernel.9.cloned.1.call-start
scs
__scs_entry_jumppad:
0x0: {  	(pc) =	sbr.rel $0x88, $3  }
0x1: {  	(tag) =	ssettag $0x0;
	lr =	simm.s32 $0x1  }
0x2: {  	[smem:$0x3F9A] =	sst lr;
	_ =	strace $0xD0000000  }
0x3: {  	_ = 	snop  }
0x4: {  	_ = 	snop  }
0x5: {  	_ = 	snop  }
0x6: {  	_ = 	snop  }
0x7: {  	_ = 	snop  }
__scs_overlays_trampoline_lowered:
0x8: {  	[smem:$0x3FA9] =	sst s0  }
0x9: {  	[smem:$0x3FAA] =	sst s1  }
0xa: {  	[smem:$0x3FAB] =	sst s2  }
0xb: {  	[smem:$0x3FAC] =	sst s3  }
0xc: {  	[smem:$0x3FAD] =	sst s4  }
0xd: {  	[smem:$0x3FAE] =	sst s5  }
0xe: {  	[smem:$0x3FAF] =	sst s6  }
0xf: {  	[smem:$0x3FB0] =	sst s7  }
0x10: {  	[smem:$0x3FB1] =	sst s8  }
0x11: {  	[smem:$0x3FB2] =	sst s9;
	s0 =	simm.s32 @!p0 $0x0  }
0x12: {  	s1 =	sld [smem:$0x3F98];
	s0 =	simm.s32 @p0 $0x1  }
0x13: {  	[smem:$0x3FB3] =	sst s0;
	s0 =	simm.s32 @!p1 $0x0  }
0x14: {  	s2 =	sld [smem:$0x3F97];
	s0 =	simm.s32 @p1 $0x1  }
0x15: {  	[smem:$0x3FB4] =	sst s0;
	s0 =	simm.s32 @!p2 $0x0  }
0x16: {  	s3 =	sld [smem:$0x3FDB];
	s0 =	simm.s32 @p2 $0x1  }
0x17: {  	s4 =	simm.s32 $0x1BF5;
	[smem:$0x3FB6] =	sst s0  }
0x18: {  	s0 =	sld [smem:$0x3F99];
	_ =	swait.ge [sflag:s4], $0x0  }
0x19: {  	s7 =	sld [smem:$0x3F9A]  }
0x1a: {  	s8 =	sadd.s32 $0xFFFFE003, lr  }
0x1b: {  	s9 =	sadd.s32 $0xFFFFFEF7, lr;
	s5 =	simm.s32 $0xFFFFFFFF;
	p2 =	slt.u32 s8, $0xFFFFF086  }
0x1c: {  	p1 =	slt.u32 s9, $0xF7A;
	s5 =	simm.s32 @!p2 $0x0  }
0x1d: {  	s5 =	simm.s32 @p1 $0x1;
	p0 =	seq.s32 s7, s2  }
0x1e: {  	s7 =	smul.u32 @!p0 $0xF7A, s2;
	p2 =	seq.s32 @!p0 s5, $0x0  }
0x1f: {  	s9 =	smul.u32 $0xF7A, s1;
	s8 =	simm.s32 @!p0 $0x1BF5;
	p2 =	por !p2, p0  }
0x20: {  	[sflag:s8] =	ssyncset.s32 @!p0 $0xFFFFF086;
	s6 =	sadd.s32 @!p0 s3, s7;
	s7 =	simm.s32 @!p0 $0x108  }
0x21: {  	s3 =	sadd.s32 s3, s9;
	s6 =	sadd.s32 @!p0 $0x88, s6;
	s7 =	simm.s32 @p2 $0x1082  }
0x22: {  	[simem:s7], [sflag:s8] =	dma.local @!p0 [hbm:s6], $0xF7A  }
0x23: {  	s9 =	sor.u32 $0xD0000000, s2;
	s6 =	simm.s32 $0x108;
	_ =	swait.ge @!p0 [sflag:s8], $0x0  }
0x24: {  	s3 =	sadd.s32 $0x88, s3;
	s6 =	simm.s32 @!p1 $0x1082;
	[sflag:s4] =	ssyncset.s32 $0xFFFFF086  }
0x25: {  	[simem:s6], [sflag:s4] =	dma.local [hbm:s3], $0xF7A  }
0x26: {  	[smem:$0x3F9A] =	sst s1;
	(tag) =	ssettag s2;
	_ =	strace s9  }
0x27: {  	s1 =	sld [smem:$0x3FAA]  }
0x28: {  	s2 =	sld [smem:$0x3FAB]  }
0x29: {  	s4 =	sld [smem:$0x3FAD]  }
0x2a: {  	p0 =	seq.s32 s5, $0x0;
	s5 =	sld [smem:$0x3FAE]  }
0x2b: {  	s6 =	sld [smem:$0x3FAF]  }
0x2c: {  	s7 =	sld [smem:$0x3FB0]  }
0x2d: {  	s3 =	simm.s32 $0x108;
	s8 =	sld [smem:$0x3FB1]  }
0x2e: {  	s3 =	simm.s32 @!p0 $0x1082;
	s9 =	sld [smem:$0x3FB2]  }
0x2f: {  	lr =	sadd.s32 s0, s3;
	s0 =	sld [smem:$0x3FA9]  }
0x30: {  	s3 =	sld [smem:$0x3FAC]  }
0x31: {  	[smem:$0x3FB5] =	sst s10  }
0x32: {  	s10 =	sld [smem:$0x3FB3];
	_ =	sdelay $0x3  }
0x33: {  	p0 =	seq.s32 s10, $0x1;
	s10 =	sld [smem:$0x3FB5];
	_ =	sdelay $0x3  }
0x34: {  	[smem:$0x3FB5] =	sst s10  }
0x35: {  	s10 =	sld [smem:$0x3FB4];
	_ =	sdelay $0x3  }
0x36: {  	p1 =	seq.s32 s10, $0x1;
	s10 =	sld [smem:$0x3FB5];
	_ =	sdelay $0x3  }
0x37: {  	[smem:$0x3FB5] =	sst s10  }
0x38: {  	s10 =	sld [smem:$0x3FB6]  }
0x39: {  	_ = 	snop;
	(pc) =	sbr.ind lr, $3  }
0x3a: {  	_ = 	snop  }
0x3b: {  	_ = 	snop  }
0x3c: {  	p2 =	seq.s32 s10, $0x1;
	s10 =	sld [smem:$0x3FB5]  }
0x3d: {  	_ =	shalt  }
0x3e: {  	_ =	shalt  }
0x3f: {  	_ =	shalt  }
0x40: {  	_ =	shalt  }
0x41: {  	_ =	shalt  }
0x42: {  	_ =	shalt  }
0x43: {  	_ =	shalt  }
0x44: {  	_ =	shalt  }
0x45: {  	_ =	shalt  }
0x46: {  	_ =	shalt  }
0x47: {  	_ =	shalt  }
0x48: {  	_ =	shalt  }
0x49: {  	_ =	shalt  }
0x4a: {  	_ =	shalt  }
0x4b: {  	_ =	shalt  }
0x4c: {  	_ =	shalt  }
0x4d: {  	_ =	shalt  }
0x4e: {  	_ =	shalt  }
0x4f: {  	_ =	shalt  }
0x50: {  	_ =	shalt  }
0x51: {  	_ =	shalt  }
0x52: {  	_ =	shalt  }
0x53: {  	_ =	shalt  }
0x54: {  	_ =	shalt  }
0x55: {  	_ =	shalt  }
0x56: {  	_ =	shalt  }
0x57: {  	_ =	shalt  }
0x58: {  	_ =	shalt  }
0x59: {  	_ =	shalt  }
0x5a: {  	_ =	shalt  }
0x5b: {  	_ =	shalt  }
0x5c: {  	_ =	shalt  }
0x5d: {  	_ =	shalt  }
0x5e: {  	_ =	shalt  }
0x5f: {  	_ =	shalt  }
0x60: {  	_ =	shalt  }
0x61: {  	_ =	shalt  }
0x62: {  	_ =	shalt  }
0x63: {  	_ =	shalt  }
0x64: {  	_ =	shalt  }
0x65: {  	_ =	shalt  }
0x66: {  	_ =	shalt  }
0x67: {  	_ =	shalt  }
0x68: {  	_ =	shalt  }
0x69: {  	_ =	shalt  }
0x6a: {  	_ =	shalt  }
0x6b: {  	_ =	shalt  }
0x6c: {  	_ =	shalt  }
0x6d: {  	_ =	shalt  }
0x6e: {  	_ =	shalt  }
0x6f: {  	_ =	shalt  }
0x70: {  	_ =	shalt  }
0x71: {  	_ =	shalt  }
0x72: {  	_ =	shalt  }
0x73: {  	_ =	shalt  }
0x74: {  	_ =	shalt  }
0x75: {  	_ =	shalt  }
0x76: {  	_ =	shalt  }
0x77: {  	_ =	shalt  }
0x78: {  	_ =	shalt  }
0x79: {  	_ =	shalt  }
0x7a: {  	_ =	shalt  }
0x7b: {  	_ =	shalt  }
0x7c: {  	_ =	shalt  }
0x7d: {  	_ =	shalt  }
0x7e: {  	_ =	shalt  }
0x7f: {  	_ =	shalt  }
0x80: {  	_ =	shalt  }
0x81: {  	_ =	shalt  }
0x82: {  	_ =	shalt  }
0x83: {  	_ =	shalt  }
0x84: {  	_ =	shalt  }
0x85: {  	_ =	shalt  }
0x86: {  	_ =	shalt  }
0x87: {  	_ =	shalt  }
.Lfunc_end0:
.L_simem_size_0:
called_computation_lowered:
.L_overlay_start_0:
0x88: {  	s2 =	sld [smem:$0x3FD9]  }
0x89: {  	s3 =	sld [smem:$0x3FFE];
	_ =	sdelay $0x1  }
0x8a: {  	s1 =	srdreg.scid  }
0x8b: {  	s0 =	sand.u32 $0x1, s1  }
0x8c: {  	s16 =	sshll.u32 s0, $0xA;
	s2 =	sadd.s32 s3, s2  }
0x8d: {  	s2 =	sadd.s32 s2, s16  }
0x8e: {  	[smem:$0x3FC1] =	sst s2  }
0x8f: {  	_ = 	snop  }
0x90: {  	(tm) =	ssettm $0x1  }
0x91: {  	s17 =	sld [smem:$0x3FFB];
	_ =	sdelay $0x3  }
0x92: {  	_ =	strace s17  }
0x93: {  	s2 =	sld [smem:$0x3FFC];
	_ =	sdelay $0x3  }
0x94: {  	_ =	strace s2  }
0x95: {  	s2 =	sld [smem:$0x3FFD];
	_ =	sdelay $0x3  }
0x96: {  	_ =	strace s2  }
0x97: {  	_ =	strace $0x8FFFFFFF  }
0x98: {  	s18 =	sld [smem:$0x3FDB];
	_ =	sdelay $0x1  }
0x99: {  	s19 =	simm.s32 $_scs_section_size  }
0x9a: {  	s4 =	simm.s32 $_size__tile_overlayer_lowered;
	s5 =	simm.s32 $_tile_overlayer_lowered  }
0x9b: {  	s22 =	simm.s32 $0x1BFF;
	s21 =	sshll.u32 s5, $0x1;
	s2 =	sadd.s32 s19, s18  }
0x9c: {  	s6 =	simm.s32 $0x0;
	s20 =	sshll.u32 s4, $0x1;
	s4 =	sadd.s32 s21, s2  }
0x9d: {  	[timem:s6], [sflag:s22] =	dma.local [hbm:s4], s20  }
0x9e: {  	_ =	swait.ge [sflag:s22], s20  }
0x9f: {  	s3 =	ssub.s32 $0x0, s20;
	[sflag:s22] =	ssyncset.done $0x0  }
0xa0: {  	[sflag:s22] =	ssyncadd.s32 s3;
	_ =	sdelay $0x1  }
0xa1: {  	s23 =	simm.s32 $0x1B8B  }
0xa2: {  	_ =	swait.ge [sflag:s23], $0x1  }
0xa3: {  	[sflag:s23] =	ssyncset.done $0x0  }
0xa4: {  	s25 =	simm.s32 $0x1B8E;
	s24 =	sld [smem:$0x3FFE];
	[sflag:s23] =	ssyncadd.s32 $0xFFFFFFFF  }
0xa5: {  	s26 =	simm.s32 $execute0_lowered;
	[smem:$0x3FD2] =	sst s25  }
0xa6: {  	s4 =	sshll.u32 s26, $0x1;
	_ =	strace $0x80000046;
	[dreg:$0x1] =	wrdreg $0xFFFFFFFF  }
0xa7: {  	s28 =	simm.s32 $_size_execute0_lowered;
	s2 =	sadd.s32 s2, s4;
	[dreg:$0x0] =	wrdreg $0x0  }
0xa8: {  	s4 =	sshll.u32 s28, $0x1;
	[dreg:$0x2] =	wrdreg s2  }
0xa9: {  	[dreg:$0x3] =	wrdreg s4  }
0xaa: {  	[dreg:$0x4] =	wrdreg $0xC0  }
0xab: {  	_ =	task [dreg:s6], $0x5FFFF  }
0xac: {  	[dreg:$0x1] =	wrdreg $0xFFFFFFFF  }
0xad: {  	[dreg:$0x0] =	wrdreg $0x60  }
0xae: {  	[dreg:$0x2] =	wrdreg s24  }
0xaf: {  	[dreg:$0x3] =	wrdreg $0x9  }
0xb0: {  	_ =	task.clear_ibuf [dreg:s6], $0x4FFFF;
	_ =	strace $0x90000046  }
0xb1: {  	s29 =	simm.s32 $0x9;
	_ =	strace $0x80000048  }
0xb2: {  	_ =	swait.ge [sflag:s29], $0x1  }
0xb3: {  	[sflag:s29] =	ssyncadd.s32 $0xFFFFFFFF  }
0xb4: {  	_ =	strace $0x90000048  }
0xb5: {  	_ =	sfence  }
0xb6: {  	s30 =	sld [smem:$0x0];
	_ =	sdelay $0x2  }
0xb7: {  	s31 =	sshll.u32 s1, $0xD;
	s1 =	sshrl.u32 s1, $0x2  }
0xb8: {  	s3 =	sand.u32 $0x4000, s31;
	s1 =	sadd.s32 s1, s30  }
0xb9: {  	s0 =	sor.u32 s3, s0;
	s1 =	sshll.u32 s1, $0x11  }
0xba: {  	s0 =	sor.u32 s1, s0  }
0xbb: {  	s0 =	sadd.s32 $0x8F2B, s0  }
0xbc: {  	[sflag:s0] =	ssyncadd.remote.s32 $0x1  }
0xbd: {  	_ =	sfence.sel $0xFFFF  }
0xbe: {  	[dreg:$0x0] =	wrdreg $0xFFFFFFFF;
	(pc) =	sbr.abs _section_cstart, $3  }
0xbf: {  	[dreg:$0x1] =	wrdreg $0xFFFFFFFF  }
0xc0: {  	_ =	task.clear_ibuf [dreg:s6], $0x2FFFF;
	_ =	strace $0x9FFFFFFF  }
0xc1: {  	(tm) =	ssettm $0x7FFFFFFF  }
tec
execute0_lowered:
.L_overlay_start_1:
0x0: {  	(tag) =	ssettag $0x1  }
0x1: {  	s1 =	srdreg.scid  }
0x2: {  	s0 =	stileid.u32;
	s4 =	rddreg [dreg:$0x0];
	s2 =	simm.s32 $0x0  }
0x3: {  	s8 =	simm.s32 $0x4F10;
	s3 =	sand.u32 $0x1, s1;
	s30 =	sshll.u32 s0, $0x1  }
0x4: {  	s9 =	simm.s32 $0x1;
	s10 =	simm.s32 $0x0;
	s5 =	sor.u32 s3, s30  }
0x5: {  	s1 =	rddreg [dreg:$0x1];
	s3 =	ssub.s32 $0x2, s3;
	s6 =	smul.u32 $0x500, s5  }
0x6: {  	[smem:$0x7FF] =	sst s2;
	s5 =	smul.u32 $0x4E2, s5;
	s31 =	sshrl.u32 s3, $0x1  }
0x7: {  	_ =	strace $0x80000047;
	s7 =	ssub.s32 s3, s31;
	s6 =	sadd.s32 s6, s4  }
0x8: {  	s5 =	sadd.s32 s5, s4;
	s3 =	sadd.s32 $0xBA00, s6;
	s4 =	sadd.s32 $0x1A00, s6  }
0x9: {  	v0 =	vimm.f32 $0.0e+00;
	s5 =	sadd.s32 $0x15A00, s5;
	s6 =	smax.u32 s7, $0x1;
	s7 =	simm.s32 $0x2710  }
.LBB2_1:
0xa: {  	[tilespmem:s7], [sflag:$0x1] =	stream.linear.gather [hbm4b:s3+s2], $0x2800, $0x38;
	[tilespmem:$0x7710] =	vst v63  }
0xb: {  	s11 =	simm.s32 $0x40;
	s12 =	simm.s32 $0x0  }
0xc: {  	[tilespmem:s8], [sflag:$0x1] =	stream.linear.gather [hbm4b:s4+s2], $0x2800, $0x38;
	[tilespmem:$0x7710] =	vst v63  }
.LBB2_2:
0xd: {  	p0 =	sne.s32 s11, $0x9C00;
	[tilespmem:s12+$0x0] =	vst v0;
	s12 =	smov.u32 s11;
	s11 =	sadd.s32 $0x40, s11  }
.Ltmp0:
0xe: {  	(pc) =	sbr.rel @p0 .LBB2_2-.Ltmp0, $2  }
0xf: {  	_ =	sdelay $0x2  }
0x10: {  	s12 =	sshra.s32 s12, $0x2  }
0x11: {  	[tilespmem:s12+$0x0] =	vst v0  }
0x12: {  	_ =	swait.ge [sflag:s9], $0x2800  }
0x13: {  	[sflag:s9] =	ssyncset.done $0x0  }
0x14: {  	[sflag:s9] =	ssyncadd.s32 $0xFFFFD800  }
0x15: {  	_ =	swait.ge [sflag:s9], $0x2800  }
0x16: {  	[sflag:s9] =	ssyncset.done $0x0  }
0x17: {  	s12 =	simm.s32 $0x0;
	s11 =	simm.s32 $0x40;
	[sflag:s9] =	ssyncadd.s32 $0xFFFFD800  }
.LBB2_4:
0x18: {  	p0 =	sne.s32 s11, $0x9FC0;
	v1 =	vld [tilespmem:s12+$0x2710];
	_ =	sdelay $0x2  }
0x19: {  	v2 =	vld [tilespmem:s12+$0x4F10]  }
.Ltmp1:
0x1a: {  	(pc) =	sbr.rel @p0 .LBB2_4-.Ltmp1, $2  }
0x1b: {  	_ =	sdelay $0x2  }
0x1c: {  	s12 =	sshra.s32 s11, $0x2;
	s11 =	sadd.s32 $0x40, s11;
	[tilespmem:v1+s2+$0x0] =	vst.idx.add.f32.msk $0xffff, v2  }
0x1d: {  	v1 =	vld [tilespmem:s12+$0x2710];
	_ =	sdelay $0x2  }
0x1e: {  	v2 =	vld [tilespmem:s12+$0x4F10];
	_ =	sdelay $0x2  }
0x1f: {  	s10 =	sadd.s32 $0x1, s10  }
0x20: {  	p0 =	sne.s32 s10, s6  }
.Ltmp2:
0x21: {  	[tilespmem:v1+s2+$0x0] =	vst.idx.add.f32.msk $0xffff, v2;
	(pc) =	sbr.rel @p0 .LBB2_1-.Ltmp2, $4  }
0x22: {  	[hbm4b:s5+s2] =	stream.linear.scatter [tilespmem:s2], [sflag:$0x1], $0x2710, $0x38;
	[tilespmem:$0x7710] =	vst v63  }
0x23: {  	_ =	swait.ge [sflag:s9], $0x2710  }
0x24: {  	[sflag:s9] =	ssyncset.done $0x0  }
0x25: {  	[sflag:s9] =	ssyncadd.s32 $0xFFFFD8F0  }
0x26: {  	_ =	sfence.sel $0x180000  }
0x27: {  	[bflag:$0x0] =	sbarrier.arrive $0xFFFF  }
0x28: {  	p0 =	sne.s32 s0, $0x0;
	_ =	strace $0x90000047  }
0x29: {  	s0 =	sadd.s32 @!p0 $0x100000, s1;
	[bflag:$0x2] =	sbarrier.arrive $0xFFFF  }
0x2a: {  	[sflag:s0] =	ssyncadd.tile.s32 @!p0 $0x1;
	_ =	shalt  }
.Lfunc_end2:
_tile_overlayer_lowered:
.L_overlay_start_2:
0x2b: {  	(tag) =	ssettag $0x2  }
0x2c: {  	s0 =	rddreg [dreg:$0x0];
	s2 =	stileid.u32  }
0x2d: {  	s1 =	rddreg [dreg:$0x1];
	p0 =	sne.s32 s2, $0x0  }
0x2e: {  	s3 =	rddreg [dreg:$0x2];
	[bflag:$0x3] =	sbarrier.arrive $0xFFFF;
	s2 =	simm.s32 @!p0 $0x1C02  }
0x2f: {  	[timem:s3], [sflag:s2] =	dma.local @!p0 [hbm:s0], s1  }
0x30: {  	s0 =	simm.s32 @!p0 $0x2  }
0x31: {  	_ =	swait.ge @!p0 [sflag:s0], s1  }
0x32: {  	s1 =	ssub.s32 @!p0 $0x0, s1;
	[sflag:s0] =	ssyncset.done @!p0 $0x0  }
0x33: {  	[sflag:s0] =	ssyncadd.s32 @!p0 s1  }
0x34: {  	[bflag:$0x3] =	sbarrier.arrive $0xFFFF  }
0x35: {  	_ =	shalt  }

</sc_bundles>
